<compile_context>
chip_gen: v7x
topology: tpu7x:2x2x1
jax: 0.10.2.dev20260603
libtpu: 0.0.44.dev20260713+nightly
codegen_flags: <defaults>
</compile_context>

<pallas_src>
import jax
import jax.numpy as jnp
from jax import lax
from jax.experimental import pallas as pl
from jax.experimental.pallas import tpu as pltpu
from jax.experimental.pallas import tpu_sc as plsc

N_NODES = 50000
N_GRAPHS = 16

E_PAD = 819200
N_PAD = 50176
BE = 2048
BN = 1024
DUMP = N_NODES

SC_K = 1600
NPT = N_PAD // 16
_SC_MESH = dict(core_axis_name="c", subcore_axis_name="s")
_SC_PARAMS = pltpu.CompilerParams(use_tc_tiling_on_sc=False)


def _ured_body(u_ref, wu_ref, bu_ref, out_ref):
    out_ref[...] = (
        jnp.dot(u_ref[...], wu_ref[...], preferred_element_type=jnp.float32)
        + bu_ref[...]
    )


def _edge_body(x_ref, ured_ref, w0rc_ref, w0u_ref,
               be0_ref, we1_ref, be1_ref, we2_ref, be2_ref, w1c_ref,
               w1e_ref, bn10_ref, wn11_ref, bn11_ref, mo_ref):
    f32 = jnp.float32
    x = x_ref[...]
    b = x[:, 9:10]
    iota = lax.broadcasted_iota(jnp.int32, (1, N_GRAPHS), 1).astype(f32)
    oh = (b == iota).astype(f32)
    ub = jnp.dot(oh, ured_ref[...], preferred_element_type=f32)
    e0 = (jnp.dot(x, w0rc_ref[...], preferred_element_type=f32)
          + jnp.dot(ub, w0u_ref[...], preferred_element_type=f32)
          + be0_ref[...])
    h = jnp.maximum(e0, 0.0)
    h = jnp.maximum(jnp.dot(h, we1_ref[...], preferred_element_type=f32)
                    + be1_ref[...], 0.0)
    eo = jnp.dot(h, we2_ref[...], preferred_element_type=f32) + be2_ref[...]
    m = jnp.maximum(jnp.dot(x, w1c_ref[...], preferred_element_type=f32)
                    + jnp.dot(eo, w1e_ref[...], preferred_element_type=f32)
                    + bn10_ref[...], 0.0)
    m = jnp.maximum(jnp.dot(m, wn11_ref[...], preferred_element_type=f32)
                    + bn11_ref[...], 0.0)
    mo_ref[...] = m


def _node_body(x_ref, sa_ref, sb_ref, cnta_ref, cntb_ref,
               batch_ref, ured_ref, w2x_ref, w2agg_ref,
               w2u_ref, bn20_ref, wn21_ref, bn21_ref, out_ref):
    f32 = jnp.float32
    inv = 1.0 / jnp.maximum(cnta_ref[...] + cntb_ref[...], 1.0)
    b = batch_ref[...]
    oh = (b == lax.broadcasted_iota(jnp.int32, (1, N_GRAPHS), 1)).astype(f32)
    ub = jnp.dot(oh, ured_ref[...], preferred_element_type=f32)
    agg = (sa_ref[...] + sb_ref[...]) * inv
    h2 = (jnp.dot(x_ref[...], w2x_ref[...], preferred_element_type=f32)
          + jnp.dot(agg, w2agg_ref[...], preferred_element_type=f32)
          + jnp.dot(ub, w2u_ref[...], preferred_element_type=f32)
          + bn20_ref[...])
    h2 = jnp.maximum(h2, 0.0)
    out_ref[...] = (jnp.dot(h2, wn21_ref[...], preferred_element_type=f32)
                    + bn21_ref[...])


def _full(shape):
    return pl.BlockSpec(shape, lambda i: (0,) * len(shape))


def _gather_body(x16_hbm, rowp_hbm, colp_hbm, eap_hbm, xr_hbm,
                 row_v, col_v, ea_v, xr_v, xc_v, sem1, sem2):
    c = lax.axis_index("c")
    s = lax.axis_index("s")
    wid = s * 2 + c
    epw = rowp_hbm.shape[0] // 32
    base_w = wid * epw
    lane10 = jnp.full((16,), 10, jnp.int32)

    @pl.loop(0, epw // SC_K)
    def _chunk(it):
        eb = base_w + it * SC_K
        pltpu.sync_copy(rowp_hbm.at[pl.ds(eb, SC_K)], row_v)
        pltpu.sync_copy(colp_hbm.at[pl.ds(eb, SC_K)], col_v)
        pltpu.sync_copy(eap_hbm.at[pl.ds(eb, SC_K)], ea_v)
        cp1 = pltpu.async_copy(x16_hbm.at[row_v], xr_v, sem1)
        cp2 = pltpu.async_copy(x16_hbm.at[col_v], xc_v, sem2)
        cp1.wait()
        cp2.wait()

        @pl.loop(0, SC_K // 16)
        def _ea(i):
            rows = lax.iota(jnp.int32, 16) + i * 16
            plsc.store_scatter(xr_v, [rows, lane10], ea_v[pl.ds(i * 16, 16)])

        pltpu.sync_copy(xr_v, xr_hbm.at[pl.ds(eb, SC_K), pl.ds(0, 16)])
        pltpu.sync_copy(xc_v, xr_hbm.at[pl.ds(eb, SC_K), pl.ds(16, 16)])


def _sc_gather(x16, rowp, colp, eap):
    f32 = jnp.float32
    ne = rowp.shape[0]
    return pl.kernel(
        _gather_body,
        out_type=jax.ShapeDtypeStruct((ne, 32), f32),
        mesh=plsc.VectorSubcoreMesh(**_SC_MESH),
        scratch_types=[
            pltpu.VMEM((SC_K,), jnp.int32),
            pltpu.VMEM((SC_K,), jnp.int32),
            pltpu.VMEM((SC_K,), f32),
            pltpu.VMEM((SC_K, 16), f32),
            pltpu.VMEM((SC_K, 16), f32),
            pltpu.SemaphoreType.DMA,
            pltpu.SemaphoreType.DMA,
        ],
        compiler_params=pltpu.CompilerParams(use_tc_tiling_on_sc=False,
                                             needs_layout_passes=False),
    )(x16, rowp, colp, eap)


def _scatter_body(m_hbm, rowp_hbm, z16_hbm, zcol_hbm, ones_hbm,
                  s_hbm, cnt_hbm, row_v, m_v, ones_v, acc_sh, cnt_sh):
    c = lax.axis_index("c")
    s = lax.axis_index("s")
    r0 = s * NPT
    ept = rowp_hbm.shape[0] // 16
    base_t = s * ept

    for p in range(2):
        col = c * 32 + p * 16
        pltpu.sync_copy(z16_hbm, acc_sh.at[pl.ds(r0, NPT)])
        if p == 0:
            @pl.when(c == 0)
            def _():
                pltpu.sync_copy(zcol_hbm, cnt_sh.at[pl.ds(r0, NPT)])
                pltpu.sync_copy(ones_hbm, ones_v)

        plsc.subcore_barrier()

        @pl.loop(0, ept // SC_K)
        def _chunk(it):
            eb = base_t + it * SC_K
            pltpu.sync_copy(rowp_hbm.at[pl.ds(eb, SC_K)], row_v)
            pltpu.sync_copy(m_hbm.at[pl.ds(eb, SC_K), pl.ds(col, 16)], m_v)
            pltpu.sync_copy(m_v, acc_sh.at[row_v], add=True)
            if p == 0:
                @pl.when(c == 0)
                def _():
                    pltpu.sync_copy(ones_v, cnt_sh.at[row_v], add=True)

        plsc.subcore_barrier()

        pltpu.sync_copy(acc_sh.at[pl.ds(r0, NPT)],
                        s_hbm.at[pl.ds(r0, NPT), pl.ds(col, 16)])
        if p == 0:
            @pl.when(c == 0)
            def _():
                pltpu.sync_copy(cnt_sh.at[pl.ds(r0, NPT)],
                                cnt_hbm.at[pl.ds(r0, NPT)])


def _sc_scatter(m, rowp):
    f32 = jnp.float32
    z16 = jnp.zeros((NPT, 16), f32)
    zcol = jnp.zeros((NPT,), f32)
    ones = jnp.ones((SC_K,), f32)
    return pl.kernel(
        _scatter_body,
        out_type=[
            jax.ShapeDtypeStruct((N_PAD, 64), f32),
            jax.ShapeDtypeStruct((N_PAD,), f32),
        ],
        mesh=plsc.VectorSubcoreMesh(**_SC_MESH),
        scratch_types=[
            pltpu.VMEM((SC_K,), jnp.int32),
            pltpu.VMEM((SC_K, 16), f32),
            pltpu.VMEM((SC_K,), f32),
            pltpu.VMEM_SHARED((N_PAD, 16), f32),
            pltpu.VMEM_SHARED((N_PAD,), f32),
        ],
        compiler_params=_SC_PARAMS,
    )(m, rowp, z16, zcol, ones)


def _edge_call(xrc, u_red, W0rc, W0u, be0r, We1, be1r,
               We2, be2r, W1c32, W1e, bn10r, Wn11, bn11r):
    f32 = jnp.float32
    ne = xrc.shape[0]
    ge = ne // BE
    return pl.pallas_call(
        _edge_body,
        grid=(ge,),
        in_specs=[
            pl.BlockSpec((BE, 32), lambda i: (i, 0)),
            _full((16, 32)),
            _full((32, 64)), _full((32, 64)),
            _full((1, 64)),
            _full((64, 64)), _full((1, 64)),
            _full((64, 64)), _full((1, 64)),
            _full((32, 64)), _full((64, 64)), _full((1, 64)),
            _full((64, 64)), _full((1, 64)),
        ],
        out_specs=pl.BlockSpec((BE, 64), lambda i: (i, 0)),
        out_shape=jax.ShapeDtypeStruct((ne, 64), f32),
    )(xrc, u_red, W0rc, W0u, be0r, We1, be1r,
      We2, be2r, W1c32, W1e, bn10r, Wn11, bn11r)


def kernel(x, edge_index, edge_attr, u, batch, Wu, bu, We0, be0, We1, be1,
           We2, be2, Wn10, bn10, Wn11, bn11, Wn20, bn20, Wn21, bn21):
    f32 = jnp.float32
    row = edge_index[0]
    col = edge_index[1]
    ne = row.shape[0]

    batchp = jnp.pad(batch, (0, N_PAD - N_NODES))
    x16 = jnp.pad(x, ((0, N_PAD - N_NODES), (0, 16 - x.shape[1])))
    x16 = x16.at[:, 9].set(batchp.astype(f32))
    rowp = jnp.concatenate([row, jnp.full((E_PAD - ne,), DUMP, jnp.int32)])
    colp = jnp.concatenate([col, jnp.zeros((E_PAD - ne,), jnp.int32)])
    eap = jnp.concatenate([edge_attr[:, 0], jnp.zeros((E_PAD - ne,), f32)])

    z64 = jnp.zeros((16, 64), f32)
    z32 = jnp.zeros((32, 64), f32)
    W0rc = (z32.at[:9].set(We0[0:9]).at[10].set(We0[18])
            .at[16:25].set(We0[9:18]))
    W0u = We0[19:51]
    W1c32 = z32.at[16:25].set(Wn10[0:9])
    W1e = Wn10[9:73]
    W2x = z64.at[:9].set(Wn20[0:9])
    W2agg = Wn20[9:73]
    W2u = Wn20[73:105]
    be0r = be0.reshape(1, -1)
    be1r = be1.reshape(1, -1)
    be2r = be2.reshape(1, -1)
    bn10r = bn10.reshape(1, -1)
    bn11r = bn11.reshape(1, -1)
    bn20r = bn20.reshape(1, -1)
    bn21r = bn21.reshape(1, -1)
    bur = bu.reshape(1, -1)

    u_red = pl.pallas_call(
        _ured_body,
        grid=(1,),
        in_specs=[_full((16, 4096)), _full((4096, 32)), _full((1, 32))],
        out_specs=_full((16, 32)),
        out_shape=jax.ShapeDtypeStruct((16, 32), f32),
    )(u, Wu, bur)

    H = E_PAD // 2
    ew = (u_red, W0rc, W0u, be0r, We1, be1r, We2, be2r, W1c32, W1e,
          bn10r, Wn11, bn11r)

    xrc0 = _sc_gather(x16, rowp[:H], colp[:H], eap[:H])
    xrc1 = _sc_gather(x16, rowp[H:], colp[H:], eap[H:])
    ma = _edge_call(xrc0, *ew)
    mb = _edge_call(xrc1, *ew)
    sa, cnta = _sc_scatter(ma, rowp[:H])
    sb, cntb = _sc_scatter(mb, rowp[H:])

    gn = N_PAD // BN
    out = pl.pallas_call(
        _node_body,
        grid=(gn,),
        in_specs=[
            pl.BlockSpec((BN, 16), lambda i: (i, 0)),
            pl.BlockSpec((BN, 64), lambda i: (i, 0)),
            pl.BlockSpec((BN, 64), lambda i: (i, 0)),
            pl.BlockSpec((BN, 1), lambda i: (i, 0)),
            pl.BlockSpec((BN, 1), lambda i: (i, 0)),
            pl.BlockSpec((BN, 1), lambda i: (i, 0)),
            _full((16, 32)),
            _full((16, 64)), _full((64, 64)),
            _full((32, 64)),
            _full((1, 64)), _full((64, 1)), _full((1, 1)),
        ],
        out_specs=pl.BlockSpec((BN, 1), lambda i: (i, 0)),
        out_shape=jax.ShapeDtypeStruct((N_PAD, 1), f32),
    )(x16, sa, sb,
      cnta[:, None], cntb[:, None], batchp[:, None], u_red,
      W2x, W2agg, W2u, bn20r, Wn21, bn21r)

    return out[:N_NODES, 0]

# --- scband reference (transcript-rebuilt; emitter-appended) ---
"""Pipeline reference for scband-ogrenet-73959336837504 (READ-ONLY COPY).

The authoritative reference and input builder live on the scoring server;
editing this copy changes nothing except your own understanding.
"""

import jax, jax.numpy as jnp
import numpy as np

N_NODES = 50000
N_EDGES = 800000
N_GRAPHS = 16
U_SZ = 4096
U_RED = 32
EH = 64
EOUT = 64
NH = 64
NODE_IN = 9


def _lin(k, fi, fo):
    return (jax.random.normal(k, (fi, fo), dtype=jnp.float32) / np.sqrt(fi),
            jnp.zeros((fo,), dtype=jnp.float32))


def setup_inputs(seed: int = 0) -> dict:
    key = jax.random.key(seed)
    ks = jax.random.split(key, 16)
    x = jax.random.normal(ks[0], (N_NODES, NODE_IN), dtype=jnp.float32)
    edge_index = jax.random.randint(ks[1], (2, N_EDGES), 0, N_NODES, dtype=jnp.int32)
    edge_attr = jax.random.normal(ks[2], (N_EDGES, 1), dtype=jnp.float32)
    u = jax.random.normal(ks[3], (N_GRAPHS, U_SZ), dtype=jnp.float32)
    batch = jnp.sort(jax.random.randint(ks[4], (N_NODES,), 0, N_GRAPHS, dtype=jnp.int32))
    Wu, bu = _lin(ks[5], U_SZ, U_RED)
    We0, be0 = _lin(ks[6], 1 + 2 * NODE_IN + U_RED, EH)
    We1, be1 = _lin(ks[7], EH, EH)
    We2, be2 = _lin(ks[8], EH, EOUT)
    Wn10, bn10 = _lin(ks[9], NODE_IN + EOUT, NH)
    Wn11, bn11 = _lin(ks[10], NH, NH)
    Wn20, bn20 = _lin(ks[11], NODE_IN + NH + U_RED, NH)
    Wn21, bn21 = _lin(ks[12], NH, 1)
    return {"x": x, "edge_index": edge_index, "edge_attr": edge_attr, "u": u, "batch": batch,
            "Wu": Wu, "bu": bu, "We0": We0, "be0": be0, "We1": We1, "be1": be1,
            "We2": We2, "be2": be2, "Wn10": Wn10, "bn10": bn10, "Wn11": Wn11, "bn11": bn11,
            "Wn20": Wn20, "bn20": bn20, "Wn21": Wn21, "bn21": bn21}


def reference(x, edge_index, edge_attr, u, batch, Wu, bu, We0, be0, We1, be1, We2, be2,
              Wn10, bn10, Wn11, bn11, Wn20, bn20, Wn21, bn21):
    # select_dim_reduction
    u_red = u @ Wu + bu
    row = edge_index[0]
    col = edge_index[1]
    # EdgeModel: cat([src, dest, edge_attr, u[batch_edge]]) -> MLP
    e_in = jnp.concatenate([x[row], x[col], edge_attr, u_red[batch[row]]], axis=1)
    h = jax.nn.relu(e_in @ We0 + be0)
    h = jax.nn.relu(h @ We1 + be1)
    e_out = h @ We2 + be2
    # NodeModel: cat([x[col], edge_attr]) -> mlp1 -> scatter_mean over row
    n_in = jnp.concatenate([x[col], e_out], axis=1)
    m = jax.nn.relu(n_in @ Wn10 + bn10)
    m = jax.nn.relu(m @ Wn11 + bn11)
    n = x.shape[0]
    seg = jax.ops.segment_sum(m, row, num_segments=n)
    cnt = jax.ops.segment_sum(jnp.ones((row.shape[0],), jnp.float32), row, num_segments=n)
    agg = seg / jnp.clip(cnt, 1.0)[:, None]
    n2 = jnp.concatenate([x, agg, u_red[batch]], axis=1)
    h2 = jax.nn.relu(n2 @ Wn20 + bn20)
    out = h2 @ Wn21 + bn21
    return jnp.squeeze(out)

if __name__ == "__main__":
    import jax
    _d = setup_inputs()
    print(jax.jit(kernel)(*tuple(_d.values())))

</pallas_src>

<mosaic_0001>
#map = affine_map<(d0, d1) -> (0, 0)>
#map1 = affine_map<(d0, d1) -> (0)>
module attributes {stable_mosaic.version = 14 : i64} {
  func.func @_gather_body(%arg0: i32, %arg1: i32, %arg2: memref<50176x16xf32, #tpu.memory_space<hbm>>, %arg3: memref<409600xi32, #tpu.memory_space<hbm>>, %arg4: memref<409600xi32, #tpu.memory_space<hbm>>, %arg5: memref<409600xf32, #tpu.memory_space<hbm>>, %arg6: memref<409600x32xf32, #tpu.memory_space<hbm>>, %arg7: memref<1600xi32, #tpu.memory_space<vmem>>, %arg8: memref<1600xi32, #tpu.memory_space<vmem>>, %arg9: memref<1600xf32, #tpu.memory_space<vmem>>, %arg10: memref<1600x16xf32, #tpu.memory_space<vmem>>, %arg11: memref<1600x16xf32, #tpu.memory_space<vmem>>, %arg12: memref<!tpu.dma_semaphore, #tpu.memory_space<semaphore_mem>>, %arg13: memref<!tpu.dma_semaphore, #tpu.memory_space<semaphore_mem>>) attributes {dimension_semantics = [#tpu.dimension_semantics<core_parallel>, #tpu.dimension_semantics<subcore_parallel>], iteration_bounds = array<i64: 2, 16>, scalar_prefetch = 0 : i64, scratch_operands = 7 : i64, tpu.core_type = #tpu.core_type<sc_vector_subcore>, window_params = [{transform_indices = #map}, {transform_indices = #map1}, {transform_indices = #map1}, {transform_indices = #map1}, {transform_indices = #map}]} {
    %mul3A = arith.constant 2 : i32
    %mul3A_0 = arith.muli %arg1, %mul3A : i32
    %add3A = arith.addi %mul3A_0, %arg0 : i32
    %mul3A_1 = arith.constant 12800 : i32
    %mul3A_2 = arith.muli %add3A, %mul3A_1 : i32
    %broadcast_in_dim3A = arith.constant 10 : i32
    %broadcast_in_dim3A_3 = vector.broadcast %broadcast_in_dim3A : i32 to vector<16xi32>
    %scan3A = arith.constant 0 : i32
    %scan3A_4 = arith.constant 8 : i32
    %scan3A_5 = arith.addi %scan3A, %scan3A_4 : i32
    %scan3A_6 = arith.constant 1 : i32
    scf.for %scan3A_8 = %scan3A to %scan3A_5 step %scan3A_6  : i32 {
      %mul3A_9 = arith.constant 1 : i32
      %mul3A_10 = arith.muli %scan3A_8, %mul3A_9 : i32
      %add3A_11 = arith.constant 0 : i32
      %add3A_12 = arith.addi %add3A_11, %mul3A_10 : i32
      %mul3A_13 = arith.constant 1600 : i32
      %mul3A_14 = arith.muli %add3A_12, %mul3A_13 : i32
      %add3A_15 = arith.addi %mul3A_2, %mul3A_14 : i32
      "tpu.region"() ({
        %run_scoped3A = tpu.sem_alloc : memref<!tpu.dma_semaphore, #tpu.memory_space<semaphore_mem>>
        %dma_start3A_31 = tpu.memref_slice %arg3[%add3A_15] : memref<409600xi32, #tpu.memory_space<hbm>> -> memref<1600xi32, #tpu.memory_space<hbm>>
        %dma_start3A_32 = tpu.memref_slice %arg3[%add3A_15] : memref<409600xi32, #tpu.memory_space<hbm>> -> memref<1600xi32, #tpu.memory_space<hbm>>
        tpu.enqueue_dma source(%dma_start3A_32 : memref<1600xi32, #tpu.memory_space<hbm>>) target(%arg7 : memref<1600xi32, #tpu.memory_space<vmem>>) target_semaphore(%run_scoped3A : memref<!tpu.dma_semaphore, #tpu.memory_space<semaphore_mem>>)
        %dma_wait3A_33 = tpu.memref_slice %arg3[%add3A_15] : memref<409600xi32, #tpu.memory_space<hbm>> -> memref<1600xi32, #tpu.memory_space<hbm>>
        %dma_wait3A_34 = tpu.memref_slice %arg3[%add3A_15] : memref<409600xi32, #tpu.memory_space<hbm>> -> memref<1600xi32, #tpu.memory_space<hbm>>
        tpu.wait_dma2 semaphore(%run_scoped3A : memref<!tpu.dma_semaphore, #tpu.memory_space<semaphore_mem>>) src(%dma_wait3A_34 : memref<1600xi32, #tpu.memory_space<hbm>>) dst(%arg7 : memref<1600xi32, #tpu.memory_space<vmem>>)
        tpu.yield
      }) : () -> ()
      "tpu.region"() ({
        %run_scoped3A = tpu.sem_alloc : memref<!tpu.dma_semaphore, #tpu.memory_space<semaphore_mem>>
        %dma_start3A_31 = tpu.memref_slice %arg4[%add3A_15] : memref<409600xi32, #tpu.memory_space<hbm>> -> memref<1600xi32, #tpu.memory_space<hbm>>
        %dma_start3A_32 = tpu.memref_slice %arg4[%add3A_15] : memref<409600xi32, #tpu.memory_space<hbm>> -> memref<1600xi32, #tpu.memory_space<hbm>>
        tpu.enqueue_dma source(%dma_start3A_32 : memref<1600xi32, #tpu.memory_space<hbm>>) target(%arg8 : memref<1600xi32, #tpu.memory_space<vmem>>) target_semaphore(%run_scoped3A : memref<!tpu.dma_semaphore, #tpu.memory_space<semaphore_mem>>)
        %dma_wait3A_33 = tpu.memref_slice %arg4[%add3A_15] : memref<409600xi32, #tpu.memory_space<hbm>> -> memref<1600xi32, #tpu.memory_space<hbm>>
        %dma_wait3A_34 = tpu.memref_slice %arg4[%add3A_15] : memref<409600xi32, #tpu.memory_space<hbm>> -> memref<1600xi32, #tpu.memory_space<hbm>>
        tpu.wait_dma2 semaphore(%run_scoped3A : memref<!tpu.dma_semaphore, #tpu.memory_space<semaphore_mem>>) src(%dma_wait3A_34 : memref<1600xi32, #tpu.memory_space<hbm>>) dst(%arg8 : memref<1600xi32, #tpu.memory_space<vmem>>)
        tpu.yield
      }) : () -> ()
      "tpu.region"() ({
        %run_scoped3A = tpu.sem_alloc : memref<!tpu.dma_semaphore, #tpu.memory_space<semaphore_mem>>
        %dma_start3A_31 = tpu.memref_slice %arg5[%add3A_15] : memref<409600xf32, #tpu.memory_space<hbm>> -> memref<1600xf32, #tpu.memory_space<hbm>>
        %dma_start3A_32 = tpu.memref_slice %arg5[%add3A_15] : memref<409600xf32, #tpu.memory_space<hbm>> -> memref<1600xf32, #tpu.memory_space<hbm>>
        tpu.enqueue_dma source(%dma_start3A_32 : memref<1600xf32, #tpu.memory_space<hbm>>) target(%arg9 : memref<1600xf32, #tpu.memory_space<vmem>>) target_semaphore(%run_scoped3A : memref<!tpu.dma_semaphore, #tpu.memory_space<semaphore_mem>>)
        %dma_wait3A_33 = tpu.memref_slice %arg5[%add3A_15] : memref<409600xf32, #tpu.memory_space<hbm>> -> memref<1600xf32, #tpu.memory_space<hbm>>
        %dma_wait3A_34 = tpu.memref_slice %arg5[%add3A_15] : memref<409600xf32, #tpu.memory_space<hbm>> -> memref<1600xf32, #tpu.memory_space<hbm>>
        tpu.wait_dma2 semaphore(%run_scoped3A : memref<!tpu.dma_semaphore, #tpu.memory_space<semaphore_mem>>) src(%dma_wait3A_34 : memref<1600xf32, #tpu.memory_space<hbm>>) dst(%arg9 : memref<1600xf32, #tpu.memory_space<vmem>>)
        tpu.yield
      }) : () -> ()
      %dma_start3A = arith.constant 0 : i32
      %dma_start3A_16 = arith.constant 0 : i32
      %dma_start3A_17 = tpu.memref_slice %arg2[%dma_start3A, %dma_start3A_16] : memref<50176x16xf32, #tpu.memory_space<hbm>> -> memref<50176x16xf32, #tpu.memory_space<hbm>>
      tpu.enqueue_indirect_dma source(%dma_start3A_17 : memref<50176x16xf32, #tpu.memory_space<hbm>>) target(%arg10 : memref<1600x16xf32, #tpu.memory_space<vmem>>) offsets(%arg7 : memref<1600xi32, #tpu.memory_space<vmem>>) semaphore(%arg12 : memref<!tpu.dma_semaphore, #tpu.memory_space<semaphore_mem>>)
      %dma_start3A_18 = arith.constant 0 : i32
      %dma_start3A_19 = arith.constant 0 : i32
      %dma_start3A_20 = tpu.memref_slice %arg2[%dma_start3A_18, %dma_start3A_19] : memref<50176x16xf32, #tpu.memory_space<hbm>> -> memref<50176x16xf32, #tpu.memory_space<hbm>>
      tpu.enqueue_indirect_dma source(%dma_start3A_20 : memref<50176x16xf32, #tpu.memory_space<hbm>>) target(%arg11 : memref<1600x16xf32, #tpu.memory_space<vmem>>) offsets(%arg8 : memref<1600xi32, #tpu.memory_space<vmem>>) semaphore(%arg13 : memref<!tpu.dma_semaphore, #tpu.memory_space<semaphore_mem>>)
      %dma_wait3A = arith.constant 0 : i32
      %dma_wait3A_21 = arith.constant 0 : i32
      %dma_wait3A_22 = tpu.memref_slice %arg2[%dma_wait3A, %dma_wait3A_21] : memref<50176x16xf32, #tpu.memory_space<hbm>> -> memref<50176x16xf32, #tpu.memory_space<hbm>>
      tpu.wait_indirect_dma semaphore(%arg12 : memref<!tpu.dma_semaphore, #tpu.memory_space<semaphore_mem>>) src(%dma_wait3A_22 : memref<50176x16xf32, #tpu.memory_space<hbm>>) dst(%arg10 : memref<1600x16xf32, #tpu.memory_space<vmem>>)
      %dma_wait3A_23 = arith.constant 0 : i32
      %dma_wait3A_24 = arith.constant 0 : i32
      %dma_wait3A_25 = tpu.memref_slice %arg2[%dma_wait3A_23, %dma_wait3A_24] : memref<50176x16xf32, #tpu.memory_space<hbm>> -> memref<50176x16xf32, #tpu.memory_space<hbm>>
      tpu.wait_indirect_dma semaphore(%arg13 : memref<!tpu.dma_semaphore, #tpu.memory_space<semaphore_mem>>) src(%dma_wait3A_25 : memref<50176x16xf32, #tpu.memory_space<hbm>>) dst(%arg11 : memref<1600x16xf32, #tpu.memory_space<vmem>>)
      %scan3A_26 = arith.constant 0 : i32
      %scan3A_27 = arith.constant 100 : i32
      %scan3A_28 = arith.addi %scan3A_26, %scan3A_27 : i32
      %scan3A_29 = arith.constant 1 : i32
      scf.for %scan3A_31 = %scan3A_26 to %scan3A_28 step %scan3A_29  : i32 {
        %mul3A_32 = arith.constant 1 : i32
        %mul3A_33 = arith.muli %scan3A_31, %mul3A_32 : i32
        %add3A_34 = arith.constant 0 : i32
        %add3A_35 = arith.addi %add3A_34, %mul3A_33 : i32
        %iota3A = tpu.iota {dimensions = array<i32: 0>} : vector<16xi32>
        %mul3A_36 = arith.constant 16 : i32
        %mul3A_37 = arith.muli %add3A_35, %mul3A_36 : i32
        %add3A_38 = vector.broadcast %mul3A_37 : i32 to vector<16xi32>
        %add3A_39 = arith.addi %iota3A, %add3A_38 : vector<16xi32>
        %mul3A_40 = arith.constant 16 : i32
        %mul3A_41 = arith.muli %add3A_35, %mul3A_40 : i32
        %get3A = arith.index_cast %mul3A_41 : i32 to index
        %get3A_42 = tpu.vector_load %arg9[%get3A] {strides = array<i32>} : memref<1600xf32, #tpu.memory_space<vmem>>, vector<16xf32>,
        tpu.vector_store_idx %arg10[%add3A_39, %broadcast_in_dim3A_3], %get3A_42 : memref<1600x16xf32, #tpu.memory_space<vmem>>[vector<16xi32>, vector<16xi32>], vector<16xf32>,
      }
      %scan3A_30 = arith.constant 100 : i32
      "tpu.region"() ({
        %run_scoped3A = tpu.sem_alloc : memref<!tpu.dma_semaphore, #tpu.memory_space<semaphore_mem>>
        %dma_start3A_31 = arith.constant 0 : i32
        %dma_start3A_32 = tpu.memref_slice %arg6[%add3A_15, %dma_start3A_31] : memref<409600x32xf32, #tpu.memory_space<hbm>> -> memref<1600x16xf32, #tpu.memory_space<hbm>>
        %dma_start3A_33 = arith.constant 0 : i32
        %dma_start3A_34 = tpu.memref_slice %arg6[%add3A_15, %dma_start3A_33] : memref<409600x32xf32, #tpu.memory_space<hbm>> -> memref<1600x16xf32, #tpu.memory_space<hbm>>
        tpu.enqueue_dma source(%arg10 : memref<1600x16xf32, #tpu.memory_space<vmem>>) target(%dma_start3A_34 : memref<1600x16xf32, #tpu.memory_space<hbm>>) target_semaphore(%run_scoped3A : memref<!tpu.dma_semaphore, #tpu.memory_space<semaphore_mem>>)
        %dma_wait3A_35 = arith.constant 0 : i32
        %dma_wait3A_36 = tpu.memref_slice %arg6[%add3A_15, %dma_wait3A_35] : memref<409600x32xf32, #tpu.memory_space<hbm>> -> memref<1600x16xf32, #tpu.memory_space<hbm>>
        %dma_wait3A_37 = arith.constant 0 : i32
        %dma_wait3A_38 = tpu.memref_slice %arg6[%add3A_15, %dma_wait3A_37] : memref<409600x32xf32, #tpu.memory_space<hbm>> -> memref<1600x16xf32, #tpu.memory_space<hbm>>
        tpu.wait_dma2 semaphore(%run_scoped3A : memref<!tpu.dma_semaphore, #tpu.memory_space<semaphore_mem>>) src(%arg10 : memref<1600x16xf32, #tpu.memory_space<vmem>>) dst(%dma_wait3A_38 : memref<1600x16xf32, #tpu.memory_space<hbm>>)
        tpu.yield
      }) : () -> ()
      "tpu.region"() ({
        %run_scoped3A = tpu.sem_alloc : memref<!tpu.dma_semaphore, #tpu.memory_space<semaphore_mem>>
        %dma_start3A_31 = arith.constant 16 : i32
        %dma_start3A_32 = tpu.memref_slice %arg6[%add3A_15, %dma_start3A_31] : memref<409600x32xf32, #tpu.memory_space<hbm>> -> memref<1600x16xf32, #tpu.memory_space<hbm>>
        %dma_start3A_33 = arith.constant 16 : i32
        %dma_start3A_34 = tpu.memref_slice %arg6[%add3A_15, %dma_start3A_33] : memref<409600x32xf32, #tpu.memory_space<hbm>> -> memref<1600x16xf32, #tpu.memory_space<hbm>>
        tpu.enqueue_dma source(%arg11 : memref<1600x16xf32, #tpu.memory_space<vmem>>) target(%dma_start3A_34 : memref<1600x16xf32, #tpu.memory_space<hbm>>) target_semaphore(%run_scoped3A : memref<!tpu.dma_semaphore, #tpu.memory_space<semaphore_mem>>)
        %dma_wait3A_35 = arith.constant 16 : i32
        %dma_wait3A_36 = tpu.memref_slice %arg6[%add3A_15, %dma_wait3A_35] : memref<409600x32xf32, #tpu.memory_space<hbm>> -> memref<1600x16xf32, #tpu.memory_space<hbm>>
        %dma_wait3A_37 = arith.constant 16 : i32
        %dma_wait3A_38 = tpu.memref_slice %arg6[%add3A_15, %dma_wait3A_37] : memref<409600x32xf32, #tpu.memory_space<hbm>> -> memref<1600x16xf32, #tpu.memory_space<hbm>>
        tpu.wait_dma2 semaphore(%run_scoped3A : memref<!tpu.dma_semaphore, #tpu.memory_space<semaphore_mem>>) src(%arg11 : memref<1600x16xf32, #tpu.memory_space<vmem>>) dst(%dma_wait3A_38 : memref<1600x16xf32, #tpu.memory_space<hbm>>)
        tpu.yield
      }) : () -> ()
    }
    %scan3A_7 = arith.constant 8 : i32
    return
  }
}

#map = affine_map<(d0, d1) -> (0, 0)>
#map1 = affine_map<(d0, d1) -> (0)>
module attributes {stable_mosaic.version = 14 : i64} {
  func.func @_scatter_body(%arg0: i32, %arg1: i32, %arg2: memref<409600x64xf32, #tpu.memory_space<hbm>>, %arg3: memref<409600xi32, #tpu.memory_space<hbm>>, %arg4: memref<3136x16xf32, #tpu.memory_space<hbm>>, %arg5: memref<3136xf32, #tpu.memory_space<hbm>>, %arg6: memref<1600xf32, #tpu.memory_space<hbm>>, %arg7: memref<50176x64xf32, #tpu.memory_space<hbm>>, %arg8: memref<50176xf32, #tpu.memory_space<hbm>>, %arg9: memref<1600xi32, #tpu.memory_space<vmem>>, %arg10: memref<1600x16xf32, #tpu.memory_space<vmem>>, %arg11: memref<1600xf32, #tpu.memory_space<vmem>>, %arg12: memref<50176x16xf32, #tpu.memory_space<vmem_shared>>, %arg13: memref<50176xf32, #tpu.memory_space<vmem_shared>>) attributes {dimension_semantics = [#tpu.dimension_semantics<core_parallel>, #tpu.dimension_semantics<subcore_parallel>], iteration_bounds = array<i64: 2, 16>, scalar_prefetch = 0 : i64, scratch_operands = 5 : i64, tpu.core_type = #tpu.core_type<sc_vector_subcore>, window_params = [{transform_indices = #map}, {transform_indices = #map1}, {transform_indices = #map}, {transform_indices = #map1}, {transform_indices = #map1}, {transform_indices = #map}, {transform_indices = #map1}]} {
    %mul3A = arith.constant 3136 : i32
    %mul3A_0 = arith.muli %arg1, %mul3A : i32
    %mul3A_1 = arith.constant 25600 : i32
    %mul3A_2 = arith.muli %arg1, %mul3A_1 : i32
    %mul3A_3 = arith.constant 32 : i32
    %mul3A_4 = arith.muli %arg0, %mul3A_3 : i32
    %add3A = arith.constant 0 : i32
    %add3A_5 = arith.addi %mul3A_4, %add3A : i32
    "tpu.region"() ({
      %run_scoped3A = tpu.sem_alloc : memref<!tpu.dma_semaphore, #tpu.memory_space<semaphore_mem>>
      %dma_start3A = arith.constant 0 : i32
      %dma_start3A_29 = tpu.memref_slice %arg12[%mul3A_0, %dma_start3A] : memref<50176x16xf32, #tpu.memory_space<vmem_shared>> -> memref<3136x16xf32, #tpu.memory_space<vmem_shared>>
      tpu.enqueue_dma source(%arg4 : memref<3136x16xf32, #tpu.memory_space<hbm>>) target(%dma_start3A_29 : memref<3136x16xf32, #tpu.memory_space<vmem_shared>>) target_semaphore(%run_scoped3A : memref<!tpu.dma_semaphore, #tpu.memory_space<semaphore_mem>>)
      %dma_wait3A = arith.constant 0 : i32
      %dma_wait3A_30 = tpu.memref_slice %arg12[%mul3A_0, %dma_wait3A] : memref<50176x16xf32, #tpu.memory_space<vmem_shared>> -> memref<3136x16xf32, #tpu.memory_space<vmem_shared>>
      tpu.wait_dma2 semaphore(%run_scoped3A : memref<!tpu.dma_semaphore, #tpu.memory_space<semaphore_mem>>) src(%arg4 : memref<3136x16xf32, #tpu.memory_space<hbm>>) dst(%dma_wait3A_30 : memref<3136x16xf32, #tpu.memory_space<vmem_shared>>)
      tpu.yield
    }) : () -> ()
    %eq3A = arith.constant 0 : i32
    %eq3A_6 = arith.cmpi eq, %arg0, %eq3A : i32
    %convert_element_type3A = arith.extui %eq3A_6 : i1 to i32
    %cond3A = arith.constant 0 : i32
    %cond3A_7 = arith.cmpi ne, %convert_element_type3A, %cond3A : i32
    scf.if %cond3A_7 {
      "tpu.region"() ({
        %run_scoped3A = tpu.sem_alloc : memref<!tpu.dma_semaphore, #tpu.memory_space<semaphore_mem>>
        %dma_start3A = tpu.memref_slice %arg13[%mul3A_0] : memref<50176xf32, #tpu.memory_space<vmem_shared>> -> memref<3136xf32, #tpu.memory_space<vmem_shared>>
        tpu.enqueue_dma source(%arg5 : memref<3136xf32, #tpu.memory_space<hbm>>) target(%dma_start3A : memref<3136xf32, #tpu.memory_space<vmem_shared>>) target_semaphore(%run_scoped3A : memref<!tpu.dma_semaphore, #tpu.memory_space<semaphore_mem>>)
        %dma_wait3A = tpu.memref_slice %arg13[%mul3A_0] : memref<50176xf32, #tpu.memory_space<vmem_shared>> -> memref<3136xf32, #tpu.memory_space<vmem_shared>>
        tpu.wait_dma2 semaphore(%run_scoped3A : memref<!tpu.dma_semaphore, #tpu.memory_space<semaphore_mem>>) src(%arg5 : memref<3136xf32, #tpu.memory_space<hbm>>) dst(%dma_wait3A : memref<3136xf32, #tpu.memory_space<vmem_shared>>)
        tpu.yield
      }) : () -> ()
      "tpu.region"() ({
        %run_scoped3A = tpu.sem_alloc : memref<!tpu.dma_semaphore, #tpu.memory_space<semaphore_mem>>
        tpu.enqueue_dma source(%arg6 : memref<1600xf32, #tpu.memory_space<hbm>>) target(%arg11 : memref<1600xf32, #tpu.memory_space<vmem>>) target_semaphore(%run_scoped3A : memref<!tpu.dma_semaphore, #tpu.memory_space<semaphore_mem>>)
        tpu.wait_dma2 semaphore(%run_scoped3A : memref<!tpu.dma_semaphore, #tpu.memory_space<semaphore_mem>>) src(%arg6 : memref<1600xf32, #tpu.memory_space<hbm>>) dst(%arg11 : memref<1600xf32, #tpu.memory_space<vmem>>)
        tpu.yield
      }) : () -> ()
    } else {
    }
    %barrier3A = arith.constant 0 : index
    tpu.barrier barrier_id(%barrier3A)
    %scan3A = arith.constant 0 : i32
    %scan3A_8 = arith.constant 16 : i32
    %scan3A_9 = arith.addi %scan3A, %scan3A_8 : i32
    %scan3A_10 = arith.constant 1 : i32
    scf.for %scan3A_29 = %scan3A to %scan3A_9 step %scan3A_10  : i32 {
      %mul3A_30 = arith.constant 1 : i32
      %mul3A_31 = arith.muli %scan3A_29, %mul3A_30 : i32
      %add3A_32 = arith.constant 0 : i32
      %add3A_33 = arith.addi %add3A_32, %mul3A_31 : i32
      %mul3A_34 = arith.constant 1600 : i32
      %mul3A_35 = arith.muli %add3A_33, %mul3A_34 : i32
      %add3A_36 = arith.addi %mul3A_2, %mul3A_35 : i32
      "tpu.region"() ({
        %run_scoped3A = tpu.sem_alloc : memref<!tpu.dma_semaphore, #tpu.memory_space<semaphore_mem>>
        %dma_start3A = tpu.memref_slice %arg3[%add3A_36] : memref<409600xi32, #tpu.memory_space<hbm>> -> memref<1600xi32, #tpu.memory_space<hbm>>
        %dma_start3A_42 = tpu.memref_slice %arg3[%add3A_36] : memref<409600xi32, #tpu.memory_space<hbm>> -> memref<1600xi32, #tpu.memory_space<hbm>>
        tpu.enqueue_dma source(%dma_start3A_42 : memref<1600xi32, #tpu.memory_space<hbm>>) target(%arg9 : memref<1600xi32, #tpu.memory_space<vmem>>) target_semaphore(%run_scoped3A : memref<!tpu.dma_semaphore, #tpu.memory_space<semaphore_mem>>)
        %dma_wait3A = tpu.memref_slice %arg3[%add3A_36] : memref<409600xi32, #tpu.memory_space<hbm>> -> memref<1600xi32, #tpu.memory_space<hbm>>
        %dma_wait3A_43 = tpu.memref_slice %arg3[%add3A_36] : memref<409600xi32, #tpu.memory_space<hbm>> -> memref<1600xi32, #tpu.memory_space<hbm>>
        tpu.wait_dma2 semaphore(%run_scoped3A : memref<!tpu.dma_semaphore, #tpu.memory_space<semaphore_mem>>) src(%dma_wait3A_43 : memref<1600xi32, #tpu.memory_space<hbm>>) dst(%arg9 : memref<1600xi32, #tpu.memory_space<vmem>>)
        tpu.yield
      }) : () -> ()
      "tpu.region"() ({
        %run_scoped3A = tpu.sem_alloc : memref<!tpu.dma_semaphore, #tpu.memory_space<semaphore_mem>>
        %dma_start3A = tpu.memref_slice %arg2[%add3A_36, %add3A_5] : memref<409600x64xf32, #tpu.memory_space<hbm>> -> memref<1600x16xf32, #tpu.memory_space<hbm>>
        %dma_start3A_42 = tpu.memref_slice %arg2[%add3A_36, %add3A_5] : memref<409600x64xf32, #tpu.memory_space<hbm>> -> memref<1600x16xf32, #tpu.memory_space<hbm>>
        tpu.enqueue_dma source(%dma_start3A_42 : memref<1600x16xf32, #tpu.memory_space<hbm>>) target(%arg10 : memref<1600x16xf32, #tpu.memory_space<vmem>>) target_semaphore(%run_scoped3A : memref<!tpu.dma_semaphore, #tpu.memory_space<semaphore_mem>>)
        %dma_wait3A = tpu.memref_slice %arg2[%add3A_36, %add3A_5] : memref<409600x64xf32, #tpu.memory_space<hbm>> -> memref<1600x16xf32, #tpu.memory_space<hbm>>
        %dma_wait3A_43 = tpu.memref_slice %arg2[%add3A_36, %add3A_5] : memref<409600x64xf32, #tpu.memory_space<hbm>> -> memref<1600x16xf32, #tpu.memory_space<hbm>>
        tpu.wait_dma2 semaphore(%run_scoped3A : memref<!tpu.dma_semaphore, #tpu.memory_space<semaphore_mem>>) src(%dma_wait3A_43 : memref<1600x16xf32, #tpu.memory_space<hbm>>) dst(%arg10 : memref<1600x16xf32, #tpu.memory_space<vmem>>)
        tpu.yield
      }) : () -> ()
      "tpu.region"() ({
        %run_scoped3A = tpu.sem_alloc : memref<!tpu.dma_semaphore, #tpu.memory_space<semaphore_mem>>
        %dma_start3A = arith.constant 0 : i32
        %dma_start3A_42 = arith.constant 0 : i32
        %dma_start3A_43 = tpu.memref_slice %arg12[%dma_start3A, %dma_start3A_42] : memref<50176x16xf32, #tpu.memory_space<vmem_shared>> -> memref<50176x16xf32, #tpu.memory_space<vmem_shared>>
        tpu.enqueue_indirect_dma source(%arg10 : memref<1600x16xf32, #tpu.memory_space<vmem>>) target(%dma_start3A_43 : memref<50176x16xf32, #tpu.memory_space<vmem_shared>>) offsets(%arg9 : memref<1600xi32, #tpu.memory_space<vmem>>) semaphore(%run_scoped3A : memref<!tpu.dma_semaphore, #tpu.memory_space<semaphore_mem>>) {add = true}
        %dma_wait3A = arith.constant 0 : i32
        %dma_wait3A_44 = arith.constant 0 : i32
        %dma_wait3A_45 = tpu.memref_slice %arg12[%dma_wait3A, %dma_wait3A_44] : memref<50176x16xf32, #tpu.memory_space<vmem_shared>> -> memref<50176x16xf32, #tpu.memory_space<vmem_shared>>
        tpu.wait_indirect_dma semaphore(%run_scoped3A : memref<!tpu.dma_semaphore, #tpu.memory_space<semaphore_mem>>) src(%arg10 : memref<1600x16xf32, #tpu.memory_space<vmem>>) dst(%dma_wait3A_45 : memref<50176x16xf32, #tpu.memory_space<vmem_shared>>)
        tpu.yield
      }) : () -> ()
      %eq3A_37 = arith.constant 0 : i32
      %eq3A_38 = arith.cmpi eq, %arg0, %eq3A_37 : i32
      %convert_element_type3A_39 = arith.extui %eq3A_38 : i1 to i32
      %cond3A_40 = arith.constant 0 : i32
      %cond3A_41 = arith.cmpi ne, %convert_element_type3A_39, %cond3A_40 : i32
      scf.if %cond3A_41 {
        "tpu.region"() ({
          %run_scoped3A = tpu.sem_alloc : memref<!tpu.dma_semaphore, #tpu.memory_space<semaphore_mem>>
          %dma_start3A = arith.constant 0 : i32
          %dma_start3A_42 = tpu.memref_slice %arg13[%dma_start3A] : memref<50176xf32, #tpu.memory_space<vmem_shared>> -> memref<50176xf32, #tpu.memory_space<vmem_shared>>
          tpu.enqueue_indirect_dma source(%arg11 : memref<1600xf32, #tpu.memory_space<vmem>>) target(%dma_start3A_42 : memref<50176xf32, #tpu.memory_space<vmem_shared>>) offsets(%arg9 : memref<1600xi32, #tpu.memory_space<vmem>>) semaphore(%run_scoped3A : memref<!tpu.dma_semaphore, #tpu.memory_space<semaphore_mem>>) {add = true}
          %dma_wait3A = arith.constant 0 : i32
          %dma_wait3A_43 = tpu.memref_slice %arg13[%dma_wait3A] : memref<50176xf32, #tpu.memory_space<vmem_shared>> -> memref<50176xf32, #tpu.memory_space<vmem_shared>>
          tpu.wait_indirect_dma semaphore(%run_scoped3A : memref<!tpu.dma_semaphore, #tpu.memory_space<semaphore_mem>>) src(%arg11 : memref<1600xf32, #tpu.memory_space<vmem>>) dst(%dma_wait3A_43 : memref<50176xf32, #tpu.memory_space<vmem_shared>>)
          tpu.yield
        }) : () -> ()
      } else {
      }
    }
    %scan3A_11 = arith.constant 16 : i32
    %barrier3A_12 = arith.constant 0 : index
    tpu.barrier barrier_id(%barrier3A_12)
    "tpu.region"() ({
      %run_scoped3A = tpu.sem_alloc : memref<!tpu.dma_semaphore, #tpu.memory_space<semaphore_mem>>
      %dma_start3A = tpu.memref_slice %arg7[%mul3A_0, %add3A_5] : memref<50176x64xf32, #tpu.memory_space<hbm>> -> memref<3136x16xf32, #tpu.memory_space<hbm>>
      %dma_start3A_29 = arith.constant 0 : i32
      %dma_start3A_30 = tpu.memref_slice %arg12[%mul3A_0, %dma_start3A_29] : memref<50176x16xf32, #tpu.memory_space<vmem_shared>> -> memref<3136x16xf32, #tpu.memory_space<vmem_shared>>
      tpu.enqueue_dma source(%dma_start3A_30 : memref<3136x16xf32, #tpu.memory_space<vmem_shared>>) target(%dma_start3A : memref<3136x16xf32, #tpu.memory_space<hbm>>) target_semaphore(%run_scoped3A : memref<!tpu.dma_semaphore, #tpu.memory_space<semaphore_mem>>)
      %dma_wait3A = tpu.memref_slice %arg7[%mul3A_0, %add3A_5] : memref<50176x64xf32, #tpu.memory_space<hbm>> -> memref<3136x16xf32, #tpu.memory_space<hbm>>
      %dma_wait3A_31 = arith.constant 0 : i32
      %dma_wait3A_32 = tpu.memref_slice %arg12[%mul3A_0, %dma_wait3A_31] : memref<50176x16xf32, #tpu.memory_space<vmem_shared>> -> memref<3136x16xf32, #tpu.memory_space<vmem_shared>>
      tpu.wait_dma2 semaphore(%run_scoped3A : memref<!tpu.dma_semaphore, #tpu.memory_space<semaphore_mem>>) src(%dma_wait3A_32 : memref<3136x16xf32, #tpu.memory_space<vmem_shared>>) dst(%dma_wait3A : memref<3136x16xf32, #tpu.memory_space<hbm>>)
      tpu.yield
    }) : () -> ()
    %eq3A_13 = arith.constant 0 : i32
    %eq3A_14 = arith.cmpi eq, %arg0, %eq3A_13 : i32
    %convert_element_type3A_15 = arith.extui %eq3A_14 : i1 to i32
    %cond3A_16 = arith.constant 0 : i32
    %cond3A_17 = arith.cmpi ne, %convert_element_type3A_15, %cond3A_16 : i32
    scf.if %cond3A_17 {
      "tpu.region"() ({
        %run_scoped3A = tpu.sem_alloc : memref<!tpu.dma_semaphore, #tpu.memory_space<semaphore_mem>>
        %dma_start3A = tpu.memref_slice %arg8[%mul3A_0] : memref<50176xf32, #tpu.memory_space<hbm>> -> memref<3136xf32, #tpu.memory_space<hbm>>
        %dma_start3A_29 = tpu.memref_slice %arg13[%mul3A_0] : memref<50176xf32, #tpu.memory_space<vmem_shared>> -> memref<3136xf32, #tpu.memory_space<vmem_shared>>
        tpu.enqueue_dma source(%dma_start3A_29 : memref<3136xf32, #tpu.memory_space<vmem_shared>>) target(%dma_start3A : memref<3136xf32, #tpu.memory_space<hbm>>) target_semaphore(%run_scoped3A : memref<!tpu.dma_semaphore, #tpu.memory_space<semaphore_mem>>)
        %dma_wait3A = tpu.memref_slice %arg8[%mul3A_0] : memref<50176xf32, #tpu.memory_space<hbm>> -> memref<3136xf32, #tpu.memory_space<hbm>>
        %dma_wait3A_30 = tpu.memref_slice %arg13[%mul3A_0] : memref<50176xf32, #tpu.memory_space<vmem_shared>> -> memref<3136xf32, #tpu.memory_space<vmem_shared>>
        tpu.wait_dma2 semaphore(%run_scoped3A : memref<!tpu.dma_semaphore, #tpu.memory_space<semaphore_mem>>) src(%dma_wait3A_30 : memref<3136xf32, #tpu.memory_space<vmem_shared>>) dst(%dma_wait3A : memref<3136xf32, #tpu.memory_space<hbm>>)
        tpu.yield
      }) : () -> ()
    } else {
    }
    %mul3A_18 = arith.constant 32 : i32
    %mul3A_19 = arith.muli %arg0, %mul3A_18 : i32
    %add3A_20 = arith.constant 16 : i32
    %add3A_21 = arith.addi %mul3A_19, %add3A_20 : i32
    "tpu.region"() ({
      %run_scoped3A = tpu.sem_alloc : memref<!tpu.dma_semaphore, #tpu.memory_space<semaphore_mem>>
      %dma_start3A = arith.constant 0 : i32
      %dma_start3A_29 = tpu.memref_slice %arg12[%mul3A_0, %dma_start3A] : memref<50176x16xf32, #tpu.memory_space<vmem_shared>> -> memref<3136x16xf32, #tpu.memory_space<vmem_shared>>
      tpu.enqueue_dma source(%arg4 : memref<3136x16xf32, #tpu.memory_space<hbm>>) target(%dma_start3A_29 : memref<3136x16xf32, #tpu.memory_space<vmem_shared>>) target_semaphore(%run_scoped3A : memref<!tpu.dma_semaphore, #tpu.memory_space<semaphore_mem>>)
      %dma_wait3A = arith.constant 0 : i32
      %dma_wait3A_30 = tpu.memref_slice %arg12[%mul3A_0, %dma_wait3A] : memref<50176x16xf32, #tpu.memory_space<vmem_shared>> -> memref<3136x16xf32, #tpu.memory_space<vmem_shared>>
      tpu.wait_dma2 semaphore(%run_scoped3A : memref<!tpu.dma_semaphore, #tpu.memory_space<semaphore_mem>>) src(%arg4 : memref<3136x16xf32, #tpu.memory_space<hbm>>) dst(%dma_wait3A_30 : memref<3136x16xf32, #tpu.memory_space<vmem_shared>>)
      tpu.yield
    }) : () -> ()
    %barrier3A_22 = arith.constant 0 : index
    tpu.barrier barrier_id(%barrier3A_22)
    %scan3A_23 = arith.constant 0 : i32
    %scan3A_24 = arith.constant 16 : i32
    %scan3A_25 = arith.addi %scan3A_23, %scan3A_24 : i32
    %scan3A_26 = arith.constant 1 : i32
    scf.for %scan3A_29 = %scan3A_23 to %scan3A_25 step %scan3A_26  : i32 {
      %mul3A_30 = arith.constant 1 : i32
      %mul3A_31 = arith.muli %scan3A_29, %mul3A_30 : i32
      %add3A_32 = arith.constant 0 : i32
      %add3A_33 = arith.addi %add3A_32, %mul3A_31 : i32
      %mul3A_34 = arith.constant 1600 : i32
      %mul3A_35 = arith.muli %add3A_33, %mul3A_34 : i32
      %add3A_36 = arith.addi %mul3A_2, %mul3A_35 : i32
      "tpu.region"() ({
        %run_scoped3A = tpu.sem_alloc : memref<!tpu.dma_semaphore, #tpu.memory_space<semaphore_mem>>
        %dma_start3A = tpu.memref_slice %arg3[%add3A_36] : memref<409600xi32, #tpu.memory_space<hbm>> -> memref<1600xi32, #tpu.memory_space<hbm>>
        %dma_start3A_37 = tpu.memref_slice %arg3[%add3A_36] : memref<409600xi32, #tpu.memory_space<hbm>> -> memref<1600xi32, #tpu.memory_space<hbm>>
        tpu.enqueue_dma source(%dma_start3A_37 : memref<1600xi32, #tpu.memory_space<hbm>>) target(%arg9 : memref<1600xi32, #tpu.memory_space<vmem>>) target_semaphore(%run_scoped3A : memref<!tpu.dma_semaphore, #tpu.memory_space<semaphore_mem>>)
        %dma_wait3A = tpu.memref_slice %arg3[%add3A_36] : memref<409600xi32, #tpu.memory_space<hbm>> -> memref<1600xi32, #tpu.memory_space<hbm>>
        %dma_wait3A_38 = tpu.memref_slice %arg3[%add3A_36] : memref<409600xi32, #tpu.memory_space<hbm>> -> memref<1600xi32, #tpu.memory_space<hbm>>
        tpu.wait_dma2 semaphore(%run_scoped3A : memref<!tpu.dma_semaphore, #tpu.memory_space<semaphore_mem>>) src(%dma_wait3A_38 : memref<1600xi32, #tpu.memory_space<hbm>>) dst(%arg9 : memref<1600xi32, #tpu.memory_space<vmem>>)
        tpu.yield
      }) : () -> ()
      "tpu.region"() ({
        %run_scoped3A = tpu.sem_alloc : memref<!tpu.dma_semaphore, #tpu.memory_space<semaphore_mem>>
        %dma_start3A = tpu.memref_slice %arg2[%add3A_36, %add3A_21] : memref<409600x64xf32, #tpu.memory_space<hbm>> -> memref<1600x16xf32, #tpu.memory_space<hbm>>
        %dma_start3A_37 = tpu.memref_slice %arg2[%add3A_36, %add3A_21] : memref<409600x64xf32, #tpu.memory_space<hbm>> -> memref<1600x16xf32, #tpu.memory_space<hbm>>
        tpu.enqueue_dma source(%dma_start3A_37 : memref<1600x16xf32, #tpu.memory_space<hbm>>) target(%arg10 : memref<1600x16xf32, #tpu.memory_space<vmem>>) target_semaphore(%run_scoped3A : memref<!tpu.dma_semaphore, #tpu.memory_space<semaphore_mem>>)
        %dma_wait3A = tpu.memref_slice %arg2[%add3A_36, %add3A_21] : memref<409600x64xf32, #tpu.memory_space<hbm>> -> memref<1600x16xf32, #tpu.memory_space<hbm>>
        %dma_wait3A_38 = tpu.memref_slice %arg2[%add3A_36, %add3A_21] : memref<409600x64xf32, #tpu.memory_space<hbm>> -> memref<1600x16xf32, #tpu.memory_space<hbm>>
        tpu.wait_dma2 semaphore(%run_scoped3A : memref<!tpu.dma_semaphore, #tpu.memory_space<semaphore_mem>>) src(%dma_wait3A_38 : memref<1600x16xf32, #tpu.memory_space<hbm>>) dst(%arg10 : memref<1600x16xf32, #tpu.memory_space<vmem>>)
        tpu.yield
      }) : () -> ()
      "tpu.region"() ({
        %run_scoped3A = tpu.sem_alloc : memref<!tpu.dma_semaphore, #tpu.memory_space<semaphore_mem>>
        %dma_start3A = arith.constant 0 : i32
        %dma_start3A_37 = arith.constant 0 : i32
        %dma_start3A_38 = tpu.memref_slice %arg12[%dma_start3A, %dma_start3A_37] : memref<50176x16xf32, #tpu.memory_space<vmem_shared>> -> memref<50176x16xf32, #tpu.memory_space<vmem_shared>>
        tpu.enqueue_indirect_dma source(%arg10 : memref<1600x16xf32, #tpu.memory_space<vmem>>) target(%dma_start3A_38 : memref<50176x16xf32, #tpu.memory_space<vmem_shared>>) offsets(%arg9 : memref<1600xi32, #tpu.memory_space<vmem>>) semaphore(%run_scoped3A : memref<!tpu.dma_semaphore, #tpu.memory_space<semaphore_mem>>) {add = true}
        %dma_wait3A = arith.constant 0 : i32
        %dma_wait3A_39 = arith.constant 0 : i32
        %dma_wait3A_40 = tpu.memref_slice %arg12[%dma_wait3A, %dma_wait3A_39] : memref<50176x16xf32, #tpu.memory_space<vmem_shared>> -> memref<50176x16xf32, #tpu.memory_space<vmem_shared>>
        tpu.wait_indirect_dma semaphore(%run_scoped3A : memref<!tpu.dma_semaphore, #tpu.memory_space<semaphore_mem>>) src(%arg10 : memref<1600x16xf32, #tpu.memory_space<vmem>>) dst(%dma_wait3A_40 : memref<50176x16xf32, #tpu.memory_space<vmem_shared>>)
        tpu.yield
      }) : () -> ()
    }
    %scan3A_27 = arith.constant 16 : i32
    %barrier3A_28 = arith.constant 0 : index
    tpu.barrier barrier_id(%barrier3A_28)
    "tpu.region"() ({
      %run_scoped3A = tpu.sem_alloc : memref<!tpu.dma_semaphore, #tpu.memory_space<semaphore_mem>>
      %dma_start3A = tpu.memref_slice %arg7[%mul3A_0, %add3A_21] : memref<50176x64xf32, #tpu.memory_space<hbm>> -> memref<3136x16xf32, #tpu.memory_space<hbm>>
      %dma_start3A_29 = arith.constant 0 : i32
      %dma_start3A_30 = tpu.memref_slice %arg12[%mul3A_0, %dma_start3A_29] : memref<50176x16xf32, #tpu.memory_space<vmem_shared>> -> memref<3136x16xf32, #tpu.memory_space<vmem_shared>>
      tpu.enqueue_dma source(%dma_start3A_30 : memref<3136x16xf32, #tpu.memory_space<vmem_shared>>) target(%dma_start3A : memref<3136x16xf32, #tpu.memory_space<hbm>>) target_semaphore(%run_scoped3A : memref<!tpu.dma_semaphore, #tpu.memory_space<semaphore_mem>>)
      %dma_wait3A = tpu.memref_slice %arg7[%mul3A_0, %add3A_21] : memref<50176x64xf32, #tpu.memory_space<hbm>> -> memref<3136x16xf32, #tpu.memory_space<hbm>>
      %dma_wait3A_31 = arith.constant 0 : i32
      %dma_wait3A_32 = tpu.memref_slice %arg12[%mul3A_0, %dma_wait3A_31] : memref<50176x16xf32, #tpu.memory_space<vmem_shared>> -> memref<3136x16xf32, #tpu.memory_space<vmem_shared>>
      tpu.wait_dma2 semaphore(%run_scoped3A : memref<!tpu.dma_semaphore, #tpu.memory_space<semaphore_mem>>) src(%dma_wait3A_32 : memref<3136x16xf32, #tpu.memory_space<vmem_shared>>) dst(%dma_wait3A : memref<3136x16xf32, #tpu.memory_space<hbm>>)
      tpu.yield
    }) : () -> ()
    return
  }
}

#map = affine_map<(d0, d1) -> (0, 0)>
#map1 = affine_map<(d0, d1) -> (0)>
module attributes {stable_mosaic.version = 14 : i64} {
  func.func @_gather_body(%arg0: i32, %arg1: i32, %arg2: memref<50176x16xf32, #tpu.memory_space<hbm>>, %arg3: memref<409600xi32, #tpu.memory_space<hbm>>, %arg4: memref<409600xi32, #tpu.memory_space<hbm>>, %arg5: memref<409600xf32, #tpu.memory_space<hbm>>, %arg6: memref<409600x32xf32, #tpu.memory_space<hbm>>, %arg7: memref<1600xi32, #tpu.memory_space<vmem>>, %arg8: memref<1600xi32, #tpu.memory_space<vmem>>, %arg9: memref<1600xf32, #tpu.memory_space<vmem>>, %arg10: memref<1600x16xf32, #tpu.memory_space<vmem>>, %arg11: memref<1600x16xf32, #tpu.memory_space<vmem>>, %arg12: memref<!tpu.dma_semaphore, #tpu.memory_space<semaphore_mem>>, %arg13: memref<!tpu.dma_semaphore, #tpu.memory_space<semaphore_mem>>) attributes {dimension_semantics = [#tpu.dimension_semantics<core_parallel>, #tpu.dimension_semantics<subcore_parallel>], iteration_bounds = array<i64: 2, 16>, scalar_prefetch = 0 : i64, scratch_operands = 7 : i64, tpu.core_type = #tpu.core_type<sc_vector_subcore>, window_params = [{transform_indices = #map}, {transform_indices = #map1}, {transform_indices = #map1}, {transform_indices = #map1}, {transform_indices = #map}]} {
    %mul3A = arith.constant 2 : i32
    %mul3A_0 = arith.muli %arg1, %mul3A : i32
    %add3A = arith.addi %mul3A_0, %arg0 : i32
    %mul3A_1 = arith.constant 12800 : i32
    %mul3A_2 = arith.muli %add3A, %mul3A_1 : i32
    %broadcast_in_dim3A = arith.constant 10 : i32
    %broadcast_in_dim3A_3 = vector.broadcast %broadcast_in_dim3A : i32 to vector<16xi32>
    %scan3A = arith.constant 0 : i32
    %scan3A_4 = arith.constant 8 : i32
    %scan3A_5 = arith.addi %scan3A, %scan3A_4 : i32
    %scan3A_6 = arith.constant 1 : i32
    scf.for %scan3A_8 = %scan3A to %scan3A_5 step %scan3A_6  : i32 {
      %mul3A_9 = arith.constant 1 : i32
      %mul3A_10 = arith.muli %scan3A_8, %mul3A_9 : i32
      %add3A_11 = arith.constant 0 : i32
      %add3A_12 = arith.addi %add3A_11, %mul3A_10 : i32
      %mul3A_13 = arith.constant 1600 : i32
      %mul3A_14 = arith.muli %add3A_12, %mul3A_13 : i32
      %add3A_15 = arith.addi %mul3A_2, %mul3A_14 : i32
      "tpu.region"() ({
        %run_scoped3A = tpu.sem_alloc : memref<!tpu.dma_semaphore, #tpu.memory_space<semaphore_mem>>
        %dma_start3A_31 = tpu.memref_slice %arg3[%add3A_15] : memref<409600xi32, #tpu.memory_space<hbm>> -> memref<1600xi32, #tpu.memory_space<hbm>>
        %dma_start3A_32 = tpu.memref_slice %arg3[%add3A_15] : memref<409600xi32, #tpu.memory_space<hbm>> -> memref<1600xi32, #tpu.memory_space<hbm>>
        tpu.enqueue_dma source(%dma_start3A_32 : memref<1600xi32, #tpu.memory_space<hbm>>) target(%arg7 : memref<1600xi32, #tpu.memory_space<vmem>>) target_semaphore(%run_scoped3A : memref<!tpu.dma_semaphore, #tpu.memory_space<semaphore_mem>>)
        %dma_wait3A_33 = tpu.memref_slice %arg3[%add3A_15] : memref<409600xi32, #tpu.memory_space<hbm>> -> memref<1600xi32, #tpu.memory_space<hbm>>
        %dma_wait3A_34 = tpu.memref_slice %arg3[%add3A_15] : memref<409600xi32, #tpu.memory_space<hbm>> -> memref<1600xi32, #tpu.memory_space<hbm>>
        tpu.wait_dma2 semaphore(%run_scoped3A : memref<!tpu.dma_semaphore, #tpu.memory_space<semaphore_mem>>) src(%dma_wait3A_34 : memref<1600xi32, #tpu.memory_space<hbm>>) dst(%arg7 : memref<1600xi32, #tpu.memory_space<vmem>>)
        tpu.yield
      }) : () -> ()
      "tpu.region"() ({
        %run_scoped3A = tpu.sem_alloc : memref<!tpu.dma_semaphore, #tpu.memory_space<semaphore_mem>>
        %dma_start3A_31 = tpu.memref_slice %arg4[%add3A_15] : memref<409600xi32, #tpu.memory_space<hbm>> -> memref<1600xi32, #tpu.memory_space<hbm>>
        %dma_start3A_32 = tpu.memref_slice %arg4[%add3A_15] : memref<409600xi32, #tpu.memory_space<hbm>> -> memref<1600xi32, #tpu.memory_space<hbm>>
        tpu.enqueue_dma source(%dma_start3A_32 : memref<1600xi32, #tpu.memory_space<hbm>>) target(%arg8 : memref<1600xi32, #tpu.memory_space<vmem>>) target_semaphore(%run_scoped3A : memref<!tpu.dma_semaphore, #tpu.memory_space<semaphore_mem>>)
        %dma_wait3A_33 = tpu.memref_slice %arg4[%add3A_15] : memref<409600xi32, #tpu.memory_space<hbm>> -> memref<1600xi32, #tpu.memory_space<hbm>>
        %dma_wait3A_34 = tpu.memref_slice %arg4[%add3A_15] : memref<409600xi32, #tpu.memory_space<hbm>> -> memref<1600xi32, #tpu.memory_space<hbm>>
        tpu.wait_dma2 semaphore(%run_scoped3A : memref<!tpu.dma_semaphore, #tpu.memory_space<semaphore_mem>>) src(%dma_wait3A_34 : memref<1600xi32, #tpu.memory_space<hbm>>) dst(%arg8 : memref<1600xi32, #tpu.memory_space<vmem>>)
        tpu.yield
      }) : () -> ()
      "tpu.region"() ({
        %run_scoped3A = tpu.sem_alloc : memref<!tpu.dma_semaphore, #tpu.memory_space<semaphore_mem>>
        %dma_start3A_31 = tpu.memref_slice %arg5[%add3A_15] : memref<409600xf32, #tpu.memory_space<hbm>> -> memref<1600xf32, #tpu.memory_space<hbm>>
        %dma_start3A_32 = tpu.memref_slice %arg5[%add3A_15] : memref<409600xf32, #tpu.memory_space<hbm>> -> memref<1600xf32, #tpu.memory_space<hbm>>
        tpu.enqueue_dma source(%dma_start3A_32 : memref<1600xf32, #tpu.memory_space<hbm>>) target(%arg9 : memref<1600xf32, #tpu.memory_space<vmem>>) target_semaphore(%run_scoped3A : memref<!tpu.dma_semaphore, #tpu.memory_space<semaphore_mem>>)
        %dma_wait3A_33 = tpu.memref_slice %arg5[%add3A_15] : memref<409600xf32, #tpu.memory_space<hbm>> -> memref<1600xf32, #tpu.memory_space<hbm>>
        %dma_wait3A_34 = tpu.memref_slice %arg5[%add3A_15] : memref<409600xf32, #tpu.memory_space<hbm>> -> memref<1600xf32, #tpu.memory_space<hbm>>
        tpu.wait_dma2 semaphore(%run_scoped3A : memref<!tpu.dma_semaphore, #tpu.memory_space<semaphore_mem>>) src(%dma_wait3A_34 : memref<1600xf32, #tpu.memory_space<hbm>>) dst(%arg9 : memref<1600xf32, #tpu.memory_space<vmem>>)
        tpu.yield
      }) : () -> ()
      %dma_start3A = arith.constant 0 : i32
      %dma_start3A_16 = arith.constant 0 : i32
      %dma_start3A_17 = tpu.memref_slice %arg2[%dma_start3A, %dma_start3A_16] : memref<50176x16xf32, #tpu.memory_space<hbm>> -> memref<50176x16xf32, #tpu.memory_space<hbm>>
      tpu.enqueue_indirect_dma source(%dma_start3A_17 : memref<50176x16xf32, #tpu.memory_space<hbm>>) target(%arg10 : memref<1600x16xf32, #tpu.memory_space<vmem>>) offsets(%arg7 : memref<1600xi32, #tpu.memory_space<vmem>>) semaphore(%arg12 : memref<!tpu.dma_semaphore, #tpu.memory_space<semaphore_mem>>)
      %dma_start3A_18 = arith.constant 0 : i32
      %dma_start3A_19 = arith.constant 0 : i32
      %dma_start3A_20 = tpu.memref_slice %arg2[%dma_start3A_18, %dma_start3A_19] : memref<50176x16xf32, #tpu.memory_space<hbm>> -> memref<50176x16xf32, #tpu.memory_space<hbm>>
      tpu.enqueue_indirect_dma source(%dma_start3A_20 : memref<50176x16xf32, #tpu.memory_space<hbm>>) target(%arg11 : memref<1600x16xf32, #tpu.memory_space<vmem>>) offsets(%arg8 : memref<1600xi32, #tpu.memory_space<vmem>>) semaphore(%arg13 : memref<!tpu.dma_semaphore, #tpu.memory_space<semaphore_mem>>)
      %dma_wait3A = arith.constant 0 : i32
      %dma_wait3A_21 = arith.constant 0 : i32
      %dma_wait3A_22 = tpu.memref_slice %arg2[%dma_wait3A, %dma_wait3A_21] : memref<50176x16xf32, #tpu.memory_space<hbm>> -> memref<50176x16xf32, #tpu.memory_space<hbm>>
      tpu.wait_indirect_dma semaphore(%arg12 : memref<!tpu.dma_semaphore, #tpu.memory_space<semaphore_mem>>) src(%dma_wait3A_22 : memref<50176x16xf32, #tpu.memory_space<hbm>>) dst(%arg10 : memref<1600x16xf32, #tpu.memory_space<vmem>>)
      %dma_wait3A_23 = arith.constant 0 : i32
      %dma_wait3A_24 = arith.constant 0 : i32
      %dma_wait3A_25 = tpu.memref_slice %arg2[%dma_wait3A_23, %dma_wait3A_24] : memref<50176x16xf32, #tpu.memory_space<hbm>> -> memref<50176x16xf32, #tpu.memory_space<hbm>>
      tpu.wait_indirect_dma semaphore(%arg13 : memref<!tpu.dma_semaphore, #tpu.memory_space<semaphore_mem>>) src(%dma_wait3A_25 : memref<50176x16xf32, #tpu.memory_space<hbm>>) dst(%arg11 : memref<1600x16xf32, #tpu.memory_space<vmem>>)
      %scan3A_26 = arith.constant 0 : i32
      %scan3A_27 = arith.constant 100 : i32
      %scan3A_28 = arith.addi %scan3A_26, %scan3A_27 : i32
      %scan3A_29 = arith.constant 1 : i32
      scf.for %scan3A_31 = %scan3A_26 to %scan3A_28 step %scan3A_29  : i32 {
        %mul3A_32 = arith.constant 1 : i32
        %mul3A_33 = arith.muli %scan3A_31, %mul3A_32 : i32
        %add3A_34 = arith.constant 0 : i32
        %add3A_35 = arith.addi %add3A_34, %mul3A_33 : i32
        %iota3A = tpu.iota {dimensions = array<i32: 0>} : vector<16xi32>
        %mul3A_36 = arith.constant 16 : i32
        %mul3A_37 = arith.muli %add3A_35, %mul3A_36 : i32
        %add3A_38 = vector.broadcast %mul3A_37 : i32 to vector<16xi32>
        %add3A_39 = arith.addi %iota3A, %add3A_38 : vector<16xi32>
        %mul3A_40 = arith.constant 16 : i32
        %mul3A_41 = arith.muli %add3A_35, %mul3A_40 : i32
        %get3A = arith.index_cast %mul3A_41 : i32 to index
        %get3A_42 = tpu.vector_load %arg9[%get3A] {strides = array<i32>} : memref<1600xf32, #tpu.memory_space<vmem>>, vector<16xf32>,
        tpu.vector_store_idx %arg10[%add3A_39, %broadcast_in_dim3A_3], %get3A_42 : memref<1600x16xf32, #tpu.memory_space<vmem>>[vector<16xi32>, vector<16xi32>], vector<16xf32>,
      }
      %scan3A_30 = arith.constant 100 : i32
      "tpu.region"() ({
        %run_scoped3A = tpu.sem_alloc : memref<!tpu.dma_semaphore, #tpu.memory_space<semaphore_mem>>
        %dma_start3A_31 = arith.constant 0 : i32
        %dma_start3A_32 = tpu.memref_slice %arg6[%add3A_15, %dma_start3A_31] : memref<409600x32xf32, #tpu.memory_space<hbm>> -> memref<1600x16xf32, #tpu.memory_space<hbm>>
        %dma_start3A_33 = arith.constant 0 : i32
        %dma_start3A_34 = tpu.memref_slice %arg6[%add3A_15, %dma_start3A_33] : memref<409600x32xf32, #tpu.memory_space<hbm>> -> memref<1600x16xf32, #tpu.memory_space<hbm>>
        tpu.enqueue_dma source(%arg10 : memref<1600x16xf32, #tpu.memory_space<vmem>>) target(%dma_start3A_34 : memref<1600x16xf32, #tpu.memory_space<hbm>>) target_semaphore(%run_scoped3A : memref<!tpu.dma_semaphore, #tpu.memory_space<semaphore_mem>>)
        %dma_wait3A_35 = arith.constant 0 : i32
        %dma_wait3A_36 = tpu.memref_slice %arg6[%add3A_15, %dma_wait3A_35] : memref<409600x32xf32, #tpu.memory_space<hbm>> -> memref<1600x16xf32, #tpu.memory_space<hbm>>
        %dma_wait3A_37 = arith.constant 0 : i32
        %dma_wait3A_38 = tpu.memref_slice %arg6[%add3A_15, %dma_wait3A_37] : memref<409600x32xf32, #tpu.memory_space<hbm>> -> memref<1600x16xf32, #tpu.memory_space<hbm>>
        tpu.wait_dma2 semaphore(%run_scoped3A : memref<!tpu.dma_semaphore, #tpu.memory_space<semaphore_mem>>) src(%arg10 : memref<1600x16xf32, #tpu.memory_space<vmem>>) dst(%dma_wait3A_38 : memref<1600x16xf32, #tpu.memory_space<hbm>>)
        tpu.yield
      }) : () -> ()
      "tpu.region"() ({
        %run_scoped3A = tpu.sem_alloc : memref<!tpu.dma_semaphore, #tpu.memory_space<semaphore_mem>>
        %dma_start3A_31 = arith.constant 16 : i32
        %dma_start3A_32 = tpu.memref_slice %arg6[%add3A_15, %dma_start3A_31] : memref<409600x32xf32, #tpu.memory_space<hbm>> -> memref<1600x16xf32, #tpu.memory_space<hbm>>
        %dma_start3A_33 = arith.constant 16 : i32
        %dma_start3A_34 = tpu.memref_slice %arg6[%add3A_15, %dma_start3A_33] : memref<409600x32xf32, #tpu.memory_space<hbm>> -> memref<1600x16xf32, #tpu.memory_space<hbm>>
        tpu.enqueue_dma source(%arg11 : memref<1600x16xf32, #tpu.memory_space<vmem>>) target(%dma_start3A_34 : memref<1600x16xf32, #tpu.memory_space<hbm>>) target_semaphore(%run_scoped3A : memref<!tpu.dma_semaphore, #tpu.memory_space<semaphore_mem>>)
        %dma_wait3A_35 = arith.constant 16 : i32
        %dma_wait3A_36 = tpu.memref_slice %arg6[%add3A_15, %dma_wait3A_35] : memref<409600x32xf32, #tpu.memory_space<hbm>> -> memref<1600x16xf32, #tpu.memory_space<hbm>>
        %dma_wait3A_37 = arith.constant 16 : i32
        %dma_wait3A_38 = tpu.memref_slice %arg6[%add3A_15, %dma_wait3A_37] : memref<409600x32xf32, #tpu.memory_space<hbm>> -> memref<1600x16xf32, #tpu.memory_space<hbm>>
        tpu.wait_dma2 semaphore(%run_scoped3A : memref<!tpu.dma_semaphore, #tpu.memory_space<semaphore_mem>>) src(%arg11 : memref<1600x16xf32, #tpu.memory_space<vmem>>) dst(%dma_wait3A_38 : memref<1600x16xf32, #tpu.memory_space<hbm>>)
        tpu.yield
      }) : () -> ()
    }
    %scan3A_7 = arith.constant 8 : i32
    return
  }
}

#map = affine_map<(d0, d1) -> (0, 0)>
#map1 = affine_map<(d0, d1) -> (0)>
module attributes {stable_mosaic.version = 14 : i64} {
  func.func @_scatter_body(%arg0: i32, %arg1: i32, %arg2: memref<409600x64xf32, #tpu.memory_space<hbm>>, %arg3: memref<409600xi32, #tpu.memory_space<hbm>>, %arg4: memref<3136x16xf32, #tpu.memory_space<hbm>>, %arg5: memref<3136xf32, #tpu.memory_space<hbm>>, %arg6: memref<1600xf32, #tpu.memory_space<hbm>>, %arg7: memref<50176x64xf32, #tpu.memory_space<hbm>>, %arg8: memref<50176xf32, #tpu.memory_space<hbm>>, %arg9: memref<1600xi32, #tpu.memory_space<vmem>>, %arg10: memref<1600x16xf32, #tpu.memory_space<vmem>>, %arg11: memref<1600xf32, #tpu.memory_space<vmem>>, %arg12: memref<50176x16xf32, #tpu.memory_space<vmem_shared>>, %arg13: memref<50176xf32, #tpu.memory_space<vmem_shared>>) attributes {dimension_semantics = [#tpu.dimension_semantics<core_parallel>, #tpu.dimension_semantics<subcore_parallel>], iteration_bounds = array<i64: 2, 16>, scalar_prefetch = 0 : i64, scratch_operands = 5 : i64, tpu.core_type = #tpu.core_type<sc_vector_subcore>, window_params = [{transform_indices = #map}, {transform_indices = #map1}, {transform_indices = #map}, {transform_indices = #map1}, {transform_indices = #map1}, {transform_indices = #map}, {transform_indices = #map1}]} {
    %mul3A = arith.constant 3136 : i32
    %mul3A_0 = arith.muli %arg1, %mul3A : i32
    %mul3A_1 = arith.constant 25600 : i32
    %mul3A_2 = arith.muli %arg1, %mul3A_1 : i32
    %mul3A_3 = arith.constant 32 : i32
    %mul3A_4 = arith.muli %arg0, %mul3A_3 : i32
    %add3A = arith.constant 0 : i32
    %add3A_5 = arith.addi %mul3A_4, %add3A : i32
    "tpu.region"() ({
      %run_scoped3A = tpu.sem_alloc : memref<!tpu.dma_semaphore, #tpu.memory_space<semaphore_mem>>
      %dma_start3A = arith.constant 0 : i32
      %dma_start3A_29 = tpu.memref_slice %arg12[%mul3A_0, %dma_start3A] : memref<50176x16xf32, #tpu.memory_space<vmem_shared>> -> memref<3136x16xf32, #tpu.memory_space<vmem_shared>>
      tpu.enqueue_dma source(%arg4 : memref<3136x16xf32, #tpu.memory_space<hbm>>) target(%dma_start3A_29 : memref<3136x16xf32, #tpu.memory_space<vmem_shared>>) target_semaphore(%run_scoped3A : memref<!tpu.dma_semaphore, #tpu.memory_space<semaphore_mem>>)
      %dma_wait3A = arith.constant 0 : i32
      %dma_wait3A_30 = tpu.memref_slice %arg12[%mul3A_0, %dma_wait3A] : memref<50176x16xf32, #tpu.memory_space<vmem_shared>> -> memref<3136x16xf32, #tpu.memory_space<vmem_shared>>
      tpu.wait_dma2 semaphore(%run_scoped3A : memref<!tpu.dma_semaphore, #tpu.memory_space<semaphore_mem>>) src(%arg4 : memref<3136x16xf32, #tpu.memory_space<hbm>>) dst(%dma_wait3A_30 : memref<3136x16xf32, #tpu.memory_space<vmem_shared>>)
      tpu.yield
    }) : () -> ()
    %eq3A = arith.constant 0 : i32
    %eq3A_6 = arith.cmpi eq, %arg0, %eq3A : i32
    %convert_element_type3A = arith.extui %eq3A_6 : i1 to i32
    %cond3A = arith.constant 0 : i32
    %cond3A_7 = arith.cmpi ne, %convert_element_type3A, %cond3A : i32
    scf.if %cond3A_7 {
      "tpu.region"() ({
        %run_scoped3A = tpu.sem_alloc : memref<!tpu.dma_semaphore, #tpu.memory_space<semaphore_mem>>
        %dma_start3A = tpu.memref_slice %arg13[%mul3A_0] : memref<50176xf32, #tpu.memory_space<vmem_shared>> -> memref<3136xf32, #tpu.memory_space<vmem_shared>>
        tpu.enqueue_dma source(%arg5 : memref<3136xf32, #tpu.memory_space<hbm>>) target(%dma_start3A : memref<3136xf32, #tpu.memory_space<vmem_shared>>) target_semaphore(%run_scoped3A : memref<!tpu.dma_semaphore, #tpu.memory_space<semaphore_mem>>)
        %dma_wait3A = tpu.memref_slice %arg13[%mul3A_0] : memref<50176xf32, #tpu.memory_space<vmem_shared>> -> memref<3136xf32, #tpu.memory_space<vmem_shared>>
        tpu.wait_dma2 semaphore(%run_scoped3A : memref<!tpu.dma_semaphore, #tpu.memory_space<semaphore_mem>>) src(%arg5 : memref<3136xf32, #tpu.memory_space<hbm>>) dst(%dma_wait3A : memref<3136xf32, #tpu.memory_space<vmem_shared>>)
        tpu.yield
      }) : () -> ()
      "tpu.region"() ({
        %run_scoped3A = tpu.sem_alloc : memref<!tpu.dma_semaphore, #tpu.memory_space<semaphore_mem>>
        tpu.enqueue_dma source(%arg6 : memref<1600xf32, #tpu.memory_space<hbm>>) target(%arg11 : memref<1600xf32, #tpu.memory_space<vmem>>) target_semaphore(%run_scoped3A : memref<!tpu.dma_semaphore, #tpu.memory_space<semaphore_mem>>)
        tpu.wait_dma2 semaphore(%run_scoped3A : memref<!tpu.dma_semaphore, #tpu.memory_space<semaphore_mem>>) src(%arg6 : memref<1600xf32, #tpu.memory_space<hbm>>) dst(%arg11 : memref<1600xf32, #tpu.memory_space<vmem>>)
        tpu.yield
      }) : () -> ()
    } else {
    }
    %barrier3A = arith.constant 0 : index
    tpu.barrier barrier_id(%barrier3A)
    %scan3A = arith.constant 0 : i32
    %scan3A_8 = arith.constant 16 : i32
    %scan3A_9 = arith.addi %scan3A, %scan3A_8 : i32
    %scan3A_10 = arith.constant 1 : i32
    scf.for %scan3A_29 = %scan3A to %scan3A_9 step %scan3A_10  : i32 {
      %mul3A_30 = arith.constant 1 : i32
      %mul3A_31 = arith.muli %scan3A_29, %mul3A_30 : i32
      %add3A_32 = arith.constant 0 : i32
      %add3A_33 = arith.addi %add3A_32, %mul3A_31 : i32
      %mul3A_34 = arith.constant 1600 : i32
      %mul3A_35 = arith.muli %add3A_33, %mul3A_34 : i32
      %add3A_36 = arith.addi %mul3A_2, %mul3A_35 : i32
      "tpu.region"() ({
        %run_scoped3A = tpu.sem_alloc : memref<!tpu.dma_semaphore, #tpu.memory_space<semaphore_mem>>
        %dma_start3A = tpu.memref_slice %arg3[%add3A_36] : memref<409600xi32, #tpu.memory_space<hbm>> -> memref<1600xi32, #tpu.memory_space<hbm>>
        %dma_start3A_42 = tpu.memref_slice %arg3[%add3A_36] : memref<409600xi32, #tpu.memory_space<hbm>> -> memref<1600xi32, #tpu.memory_space<hbm>>
        tpu.enqueue_dma source(%dma_start3A_42 : memref<1600xi32, #tpu.memory_space<hbm>>) target(%arg9 : memref<1600xi32, #tpu.memory_space<vmem>>) target_semaphore(%run_scoped3A : memref<!tpu.dma_semaphore, #tpu.memory_space<semaphore_mem>>)
        %dma_wait3A = tpu.memref_slice %arg3[%add3A_36] : memref<409600xi32, #tpu.memory_space<hbm>> -> memref<1600xi32, #tpu.memory_space<hbm>>
        %dma_wait3A_43 = tpu.memref_slice %arg3[%add3A_36] : memref<409600xi32, #tpu.memory_space<hbm>> -> memref<1600xi32, #tpu.memory_space<hbm>>
        tpu.wait_dma2 semaphore(%run_scoped3A : memref<!tpu.dma_semaphore, #tpu.memory_space<semaphore_mem>>) src(%dma_wait3A_43 : memref<1600xi32, #tpu.memory_space<hbm>>) dst(%arg9 : memref<1600xi32, #tpu.memory_space<vmem>>)
        tpu.yield
      }) : () -> ()
      "tpu.region"() ({
        %run_scoped3A = tpu.sem_alloc : memref<!tpu.dma_semaphore, #tpu.memory_space<semaphore_mem>>
        %dma_start3A = tpu.memref_slice %arg2[%add3A_36, %add3A_5] : memref<409600x64xf32, #tpu.memory_space<hbm>> -> memref<1600x16xf32, #tpu.memory_space<hbm>>
        %dma_start3A_42 = tpu.memref_slice %arg2[%add3A_36, %add3A_5] : memref<409600x64xf32, #tpu.memory_space<hbm>> -> memref<1600x16xf32, #tpu.memory_space<hbm>>
        tpu.enqueue_dma source(%dma_start3A_42 : memref<1600x16xf32, #tpu.memory_space<hbm>>) target(%arg10 : memref<1600x16xf32, #tpu.memory_space<vmem>>) target_semaphore(%run_scoped3A : memref<!tpu.dma_semaphore, #tpu.memory_space<semaphore_mem>>)
        %dma_wait3A = tpu.memref_slice %arg2[%add3A_36, %add3A_5] : memref<409600x64xf32, #tpu.memory_space<hbm>> -> memref<1600x16xf32, #tpu.memory_space<hbm>>
        %dma_wait3A_43 = tpu.memref_slice %arg2[%add3A_36, %add3A_5] : memref<409600x64xf32, #tpu.memory_space<hbm>> -> memref<1600x16xf32, #tpu.memory_space<hbm>>
        tpu.wait_dma2 semaphore(%run_scoped3A : memref<!tpu.dma_semaphore, #tpu.memory_space<semaphore_mem>>) src(%dma_wait3A_43 : memref<1600x16xf32, #tpu.memory_space<hbm>>) dst(%arg10 : memref<1600x16xf32, #tpu.memory_space<vmem>>)
        tpu.yield
      }) : () -> ()
      "tpu.region"() ({
        %run_scoped3A = tpu.sem_alloc : memref<!tpu.dma_semaphore, #tpu.memory_space<semaphore_mem>>
        %dma_start3A = arith.constant 0 : i32
        %dma_start3A_42 = arith.constant 0 : i32
        %dma_start3A_43 = tpu.memref_slice %arg12[%dma_start3A, %dma_start3A_42] : memref<50176x16xf32, #tpu.memory_space<vmem_shared>> -> memref<50176x16xf32, #tpu.memory_space<vmem_shared>>
        tpu.enqueue_indirect_dma source(%arg10 : memref<1600x16xf32, #tpu.memory_space<vmem>>) target(%dma_start3A_43 : memref<50176x16xf32, #tpu.memory_space<vmem_shared>>) offsets(%arg9 : memref<1600xi32, #tpu.memory_space<vmem>>) semaphore(%run_scoped3A : memref<!tpu.dma_semaphore, #tpu.memory_space<semaphore_mem>>) {add = true}
        %dma_wait3A = arith.constant 0 : i32
        %dma_wait3A_44 = arith.constant 0 : i32
        %dma_wait3A_45 = tpu.memref_slice %arg12[%dma_wait3A, %dma_wait3A_44] : memref<50176x16xf32, #tpu.memory_space<vmem_shared>> -> memref<50176x16xf32, #tpu.memory_space<vmem_shared>>
        tpu.wait_indirect_dma semaphore(%run_scoped3A : memref<!tpu.dma_semaphore, #tpu.memory_space<semaphore_mem>>) src(%arg10 : memref<1600x16xf32, #tpu.memory_space<vmem>>) dst(%dma_wait3A_45 : memref<50176x16xf32, #tpu.memory_space<vmem_shared>>)
        tpu.yield
      }) : () -> ()
      %eq3A_37 = arith.constant 0 : i32
      %eq3A_38 = arith.cmpi eq, %arg0, %eq3A_37 : i32
      %convert_element_type3A_39 = arith.extui %eq3A_38 : i1 to i32
      %cond3A_40 = arith.constant 0 : i32
      %cond3A_41 = arith.cmpi ne, %convert_element_type3A_39, %cond3A_40 : i32
      scf.if %cond3A_41 {
        "tpu.region"() ({
          %run_scoped3A = tpu.sem_alloc : memref<!tpu.dma_semaphore, #tpu.memory_space<semaphore_mem>>
          %dma_start3A = arith.constant 0 : i32
          %dma_start3A_42 = tpu.memref_slice %arg13[%dma_start3A] : memref<50176xf32, #tpu.memory_space<vmem_shared>> -> memref<50176xf32, #tpu.memory_space<vmem_shared>>
          tpu.enqueue_indirect_dma source(%arg11 : memref<1600xf32, #tpu.memory_space<vmem>>) target(%dma_start3A_42 : memref<50176xf32, #tpu.memory_space<vmem_shared>>) offsets(%arg9 : memref<1600xi32, #tpu.memory_space<vmem>>) semaphore(%run_scoped3A : memref<!tpu.dma_semaphore, #tpu.memory_space<semaphore_mem>>) {add = true}
          %dma_wait3A = arith.constant 0 : i32
          %dma_wait3A_43 = tpu.memref_slice %arg13[%dma_wait3A] : memref<50176xf32, #tpu.memory_space<vmem_shared>> -> memref<50176xf32, #tpu.memory_space<vmem_shared>>
          tpu.wait_indirect_dma semaphore(%run_scoped3A : memref<!tpu.dma_semaphore, #tpu.memory_space<semaphore_mem>>) src(%arg11 : memref<1600xf32, #tpu.memory_space<vmem>>) dst(%dma_wait3A_43 : memref<50176xf32, #tpu.memory_space<vmem_shared>>)
          tpu.yield
        }) : () -> ()
      } else {
      }
    }
    %scan3A_11 = arith.constant 16 : i32
    %barrier3A_12 = arith.constant 0 : index
    tpu.barrier barrier_id(%barrier3A_12)
    "tpu.region"() ({
      %run_scoped3A = tpu.sem_alloc : memref<!tpu.dma_semaphore, #tpu.memory_space<semaphore_mem>>
      %dma_start3A = tpu.memref_slice %arg7[%mul3A_0, %add3A_5] : memref<50176x64xf32, #tpu.memory_space<hbm>> -> memref<3136x16xf32, #tpu.memory_space<hbm>>
      %dma_start3A_29 = arith.constant 0 : i32
      %dma_start3A_30 = tpu.memref_slice %arg12[%mul3A_0, %dma_start3A_29] : memref<50176x16xf32, #tpu.memory_space<vmem_shared>> -> memref<3136x16xf32, #tpu.memory_space<vmem_shared>>
      tpu.enqueue_dma source(%dma_start3A_30 : memref<3136x16xf32, #tpu.memory_space<vmem_shared>>) target(%dma_start3A : memref<3136x16xf32, #tpu.memory_space<hbm>>) target_semaphore(%run_scoped3A : memref<!tpu.dma_semaphore, #tpu.memory_space<semaphore_mem>>)
      %dma_wait3A = tpu.memref_slice %arg7[%mul3A_0, %add3A_5] : memref<50176x64xf32, #tpu.memory_space<hbm>> -> memref<3136x16xf32, #tpu.memory_space<hbm>>
      %dma_wait3A_31 = arith.constant 0 : i32
      %dma_wait3A_32 = tpu.memref_slice %arg12[%mul3A_0, %dma_wait3A_31] : memref<50176x16xf32, #tpu.memory_space<vmem_shared>> -> memref<3136x16xf32, #tpu.memory_space<vmem_shared>>
      tpu.wait_dma2 semaphore(%run_scoped3A : memref<!tpu.dma_semaphore, #tpu.memory_space<semaphore_mem>>) src(%dma_wait3A_32 : memref<3136x16xf32, #tpu.memory_space<vmem_shared>>) dst(%dma_wait3A : memref<3136x16xf32, #tpu.memory_space<hbm>>)
      tpu.yield
    }) : () -> ()
    %eq3A_13 = arith.constant 0 : i32
    %eq3A_14 = arith.cmpi eq, %arg0, %eq3A_13 : i32
    %convert_element_type3A_15 = arith.extui %eq3A_14 : i1 to i32
    %cond3A_16 = arith.constant 0 : i32
    %cond3A_17 = arith.cmpi ne, %convert_element_type3A_15, %cond3A_16 : i32
    scf.if %cond3A_17 {
      "tpu.region"() ({
        %run_scoped3A = tpu.sem_alloc : memref<!tpu.dma_semaphore, #tpu.memory_space<semaphore_mem>>
        %dma_start3A = tpu.memref_slice %arg8[%mul3A_0] : memref<50176xf32, #tpu.memory_space<hbm>> -> memref<3136xf32, #tpu.memory_space<hbm>>
        %dma_start3A_29 = tpu.memref_slice %arg13[%mul3A_0] : memref<50176xf32, #tpu.memory_space<vmem_shared>> -> memref<3136xf32, #tpu.memory_space<vmem_shared>>
        tpu.enqueue_dma source(%dma_start3A_29 : memref<3136xf32, #tpu.memory_space<vmem_shared>>) target(%dma_start3A : memref<3136xf32, #tpu.memory_space<hbm>>) target_semaphore(%run_scoped3A : memref<!tpu.dma_semaphore, #tpu.memory_space<semaphore_mem>>)
        %dma_wait3A = tpu.memref_slice %arg8[%mul3A_0] : memref<50176xf32, #tpu.memory_space<hbm>> -> memref<3136xf32, #tpu.memory_space<hbm>>
        %dma_wait3A_30 = tpu.memref_slice %arg13[%mul3A_0] : memref<50176xf32, #tpu.memory_space<vmem_shared>> -> memref<3136xf32, #tpu.memory_space<vmem_shared>>
        tpu.wait_dma2 semaphore(%run_scoped3A : memref<!tpu.dma_semaphore, #tpu.memory_space<semaphore_mem>>) src(%dma_wait3A_30 : memref<3136xf32, #tpu.memory_space<vmem_shared>>) dst(%dma_wait3A : memref<3136xf32, #tpu.memory_space<hbm>>)
        tpu.yield
      }) : () -> ()
    } else {
    }
    %mul3A_18 = arith.constant 32 : i32
    %mul3A_19 = arith.muli %arg0, %mul3A_18 : i32
    %add3A_20 = arith.constant 16 : i32
    %add3A_21 = arith.addi %mul3A_19, %add3A_20 : i32
    "tpu.region"() ({
      %run_scoped3A = tpu.sem_alloc : memref<!tpu.dma_semaphore, #tpu.memory_space<semaphore_mem>>
      %dma_start3A = arith.constant 0 : i32
      %dma_start3A_29 = tpu.memref_slice %arg12[%mul3A_0, %dma_start3A] : memref<50176x16xf32, #tpu.memory_space<vmem_shared>> -> memref<3136x16xf32, #tpu.memory_space<vmem_shared>>
      tpu.enqueue_dma source(%arg4 : memref<3136x16xf32, #tpu.memory_space<hbm>>) target(%dma_start3A_29 : memref<3136x16xf32, #tpu.memory_space<vmem_shared>>) target_semaphore(%run_scoped3A : memref<!tpu.dma_semaphore, #tpu.memory_space<semaphore_mem>>)
      %dma_wait3A = arith.constant 0 : i32
      %dma_wait3A_30 = tpu.memref_slice %arg12[%mul3A_0, %dma_wait3A] : memref<50176x16xf32, #tpu.memory_space<vmem_shared>> -> memref<3136x16xf32, #tpu.memory_space<vmem_shared>>
      tpu.wait_dma2 semaphore(%run_scoped3A : memref<!tpu.dma_semaphore, #tpu.memory_space<semaphore_mem>>) src(%arg4 : memref<3136x16xf32, #tpu.memory_space<hbm>>) dst(%dma_wait3A_30 : memref<3136x16xf32, #tpu.memory_space<vmem_shared>>)
      tpu.yield
    }) : () -> ()
    %barrier3A_22 = arith.constant 0 : index
    tpu.barrier barrier_id(%barrier3A_22)
    %scan3A_23 = arith.constant 0 : i32
    %scan3A_24 = arith.constant 16 : i32
    %scan3A_25 = arith.addi %scan3A_23, %scan3A_24 : i32
    %scan3A_26 = arith.constant 1 : i32
    scf.for %scan3A_29 = %scan3A_23 to %scan3A_25 step %scan3A_26  : i32 {
      %mul3A_30 = arith.constant 1 : i32
      %mul3A_31 = arith.muli %scan3A_29, %mul3A_30 : i32
      %add3A_32 = arith.constant 0 : i32
      %add3A_33 = arith.addi %add3A_32, %mul3A_31 : i32
      %mul3A_34 = arith.constant 1600 : i32
      %mul3A_35 = arith.muli %add3A_33, %mul3A_34 : i32
      %add3A_36 = arith.addi %mul3A_2, %mul3A_35 : i32
      "tpu.region"() ({
        %run_scoped3A = tpu.sem_alloc : memref<!tpu.dma_semaphore, #tpu.memory_space<semaphore_mem>>
        %dma_start3A = tpu.memref_slice %arg3[%add3A_36] : memref<409600xi32, #tpu.memory_space<hbm>> -> memref<1600xi32, #tpu.memory_space<hbm>>
        %dma_start3A_37 = tpu.memref_slice %arg3[%add3A_36] : memref<409600xi32, #tpu.memory_space<hbm>> -> memref<1600xi32, #tpu.memory_space<hbm>>
        tpu.enqueue_dma source(%dma_start3A_37 : memref<1600xi32, #tpu.memory_space<hbm>>) target(%arg9 : memref<1600xi32, #tpu.memory_space<vmem>>) target_semaphore(%run_scoped3A : memref<!tpu.dma_semaphore, #tpu.memory_space<semaphore_mem>>)
        %dma_wait3A = tpu.memref_slice %arg3[%add3A_36] : memref<409600xi32, #tpu.memory_space<hbm>> -> memref<1600xi32, #tpu.memory_space<hbm>>
        %dma_wait3A_38 = tpu.memref_slice %arg3[%add3A_36] : memref<409600xi32, #tpu.memory_space<hbm>> -> memref<1600xi32, #tpu.memory_space<hbm>>
        tpu.wait_dma2 semaphore(%run_scoped3A : memref<!tpu.dma_semaphore, #tpu.memory_space<semaphore_mem>>) src(%dma_wait3A_38 : memref<1600xi32, #tpu.memory_space<hbm>>) dst(%arg9 : memref<1600xi32, #tpu.memory_space<vmem>>)
        tpu.yield
      }) : () -> ()
      "tpu.region"() ({
        %run_scoped3A = tpu.sem_alloc : memref<!tpu.dma_semaphore, #tpu.memory_space<semaphore_mem>>
        %dma_start3A = tpu.memref_slice %arg2[%add3A_36, %add3A_21] : memref<409600x64xf32, #tpu.memory_space<hbm>> -> memref<1600x16xf32, #tpu.memory_space<hbm>>
        %dma_start3A_37 = tpu.memref_slice %arg2[%add3A_36, %add3A_21] : memref<409600x64xf32, #tpu.memory_space<hbm>> -> memref<1600x16xf32, #tpu.memory_space<hbm>>
        tpu.enqueue_dma source(%dma_start3A_37 : memref<1600x16xf32, #tpu.memory_space<hbm>>) target(%arg10 : memref<1600x16xf32, #tpu.memory_space<vmem>>) target_semaphore(%run_scoped3A : memref<!tpu.dma_semaphore, #tpu.memory_space<semaphore_mem>>)
        %dma_wait3A = tpu.memref_slice %arg2[%add3A_36, %add3A_21] : memref<409600x64xf32, #tpu.memory_space<hbm>> -> memref<1600x16xf32, #tpu.memory_space<hbm>>
        %dma_wait3A_38 = tpu.memref_slice %arg2[%add3A_36, %add3A_21] : memref<409600x64xf32, #tpu.memory_space<hbm>> -> memref<1600x16xf32, #tpu.memory_space<hbm>>
        tpu.wait_dma2 semaphore(%run_scoped3A : memref<!tpu.dma_semaphore, #tpu.memory_space<semaphore_mem>>) src(%dma_wait3A_38 : memref<1600x16xf32, #tpu.memory_space<hbm>>) dst(%arg10 : memref<1600x16xf32, #tpu.memory_space<vmem>>)
        tpu.yield
      }) : () -> ()
      "tpu.region"() ({
        %run_scoped3A = tpu.sem_alloc : memref<!tpu.dma_semaphore, #tpu.memory_space<semaphore_mem>>
        %dma_start3A = arith.constant 0 : i32
        %dma_start3A_37 = arith.constant 0 : i32
        %dma_start3A_38 = tpu.memref_slice %arg12[%dma_start3A, %dma_start3A_37] : memref<50176x16xf32, #tpu.memory_space<vmem_shared>> -> memref<50176x16xf32, #tpu.memory_space<vmem_shared>>
        tpu.enqueue_indirect_dma source(%arg10 : memref<1600x16xf32, #tpu.memory_space<vmem>>) target(%dma_start3A_38 : memref<50176x16xf32, #tpu.memory_space<vmem_shared>>) offsets(%arg9 : memref<1600xi32, #tpu.memory_space<vmem>>) semaphore(%run_scoped3A : memref<!tpu.dma_semaphore, #tpu.memory_space<semaphore_mem>>) {add = true}
        %dma_wait3A = arith.constant 0 : i32
        %dma_wait3A_39 = arith.constant 0 : i32
        %dma_wait3A_40 = tpu.memref_slice %arg12[%dma_wait3A, %dma_wait3A_39] : memref<50176x16xf32, #tpu.memory_space<vmem_shared>> -> memref<50176x16xf32, #tpu.memory_space<vmem_shared>>
        tpu.wait_indirect_dma semaphore(%run_scoped3A : memref<!tpu.dma_semaphore, #tpu.memory_space<semaphore_mem>>) src(%arg10 : memref<1600x16xf32, #tpu.memory_space<vmem>>) dst(%dma_wait3A_40 : memref<50176x16xf32, #tpu.memory_space<vmem_shared>>)
        tpu.yield
      }) : () -> ()
    }
    %scan3A_27 = arith.constant 16 : i32
    %barrier3A_28 = arith.constant 0 : index
    tpu.barrier barrier_id(%barrier3A_28)
    "tpu.region"() ({
      %run_scoped3A = tpu.sem_alloc : memref<!tpu.dma_semaphore, #tpu.memory_space<semaphore_mem>>
      %dma_start3A = tpu.memref_slice %arg7[%mul3A_0, %add3A_21] : memref<50176x64xf32, #tpu.memory_space<hbm>> -> memref<3136x16xf32, #tpu.memory_space<hbm>>
      %dma_start3A_29 = arith.constant 0 : i32
      %dma_start3A_30 = tpu.memref_slice %arg12[%mul3A_0, %dma_start3A_29] : memref<50176x16xf32, #tpu.memory_space<vmem_shared>> -> memref<3136x16xf32, #tpu.memory_space<vmem_shared>>
      tpu.enqueue_dma source(%dma_start3A_30 : memref<3136x16xf32, #tpu.memory_space<vmem_shared>>) target(%dma_start3A : memref<3136x16xf32, #tpu.memory_space<hbm>>) target_semaphore(%run_scoped3A : memref<!tpu.dma_semaphore, #tpu.memory_space<semaphore_mem>>)
      %dma_wait3A = tpu.memref_slice %arg7[%mul3A_0, %add3A_21] : memref<50176x64xf32, #tpu.memory_space<hbm>> -> memref<3136x16xf32, #tpu.memory_space<hbm>>
      %dma_wait3A_31 = arith.constant 0 : i32
      %dma_wait3A_32 = tpu.memref_slice %arg12[%mul3A_0, %dma_wait3A_31] : memref<50176x16xf32, #tpu.memory_space<vmem_shared>> -> memref<3136x16xf32, #tpu.memory_space<vmem_shared>>
      tpu.wait_dma2 semaphore(%run_scoped3A : memref<!tpu.dma_semaphore, #tpu.memory_space<semaphore_mem>>) src(%dma_wait3A_32 : memref<3136x16xf32, #tpu.memory_space<vmem_shared>>) dst(%dma_wait3A : memref<3136x16xf32, #tpu.memory_space<hbm>>)
      tpu.yield
    }) : () -> ()
    return
  }
}

module attributes {stable_mosaic.version = 14 : i64} {
  func.func @_ured_body(%arg0: i32, %arg1: memref<16x4096xf32, #tpu.memory_space<vmem>>, %arg2: memref<4096x32xf32, #tpu.memory_space<vmem>>, %arg3: memref<1x32xf32, #tpu.memory_space<vmem>>, %arg4: memref<16x32xf32, #tpu.memory_space<vmem>>) attributes {dimension_semantics = [#tpu.dimension_semantics<arbitrary>], iteration_bounds = array<i64: 1>, scalar_prefetch = 0 : i64, scratch_operands = 0 : i64, tpu.core_type = #tpu.core_type<tc>, window_params = [{pipeline_mode = #tpu.pipeline_mode<synchronous>, transform_indices = @transform_0, window_bounds = array<i64: 16, 4096>}, {pipeline_mode = #tpu.pipeline_mode<synchronous>, transform_indices = @transform_1, window_bounds = array<i64: 4096, 32>}, {pipeline_mode = #tpu.pipeline_mode<synchronous>, transform_indices = @transform_2, window_bounds = array<i64: 1, 32>}, {pipeline_mode = #tpu.pipeline_mode<synchronous>, transform_indices = @transform_3, window_bounds = array<i64: 16, 32>}]} {
    %get3A = arith.constant 0 : index
    %get3A_0 = arith.constant 0 : index
    %get3A_1 = vector.load %arg1[%get3A, %get3A_0] : memref<16x4096xf32, #tpu.memory_space<vmem>>, vector<16x4096xf32>
    %get3A_2 = arith.constant 0 : index
    %get3A_3 = arith.constant 0 : index
    %get3A_4 = vector.load %arg2[%get3A_2, %get3A_3] : memref<4096x32xf32, #tpu.memory_space<vmem>>, vector<4096x32xf32>
    %dot_general3A = arith.constant dense<0.000000e+00> : vector<16x32xf32>
    %dot_general3A_5 = tpu.matmul %get3A_1, %get3A_4, %dot_general3A {dimension_numbers = #tpu.dot_dimension_numbers<[1], [0], [0], [1], [0, 0, 1, 1], [], []>, transpose_lhs_hint = false} : vector<16x4096xf32>, vector<4096x32xf32>, vector<16x32xf32> -> vector<16x32xf32>
    %get3A_6 = arith.constant 0 : index
    %get3A_7 = arith.constant 0 : index
    %get3A_8 = vector.load %arg3[%get3A_6, %get3A_7] : memref<1x32xf32, #tpu.memory_space<vmem>>, vector<1x32xf32>
    %add3A = vector.broadcast %get3A_8 : vector<1x32xf32> to vector<16x32xf32>
    %add3A_9 = arith.addf %dot_general3A_5, %add3A : vector<16x32xf32>
    %swap3A = arith.constant 0 : index
    %swap3A_10 = arith.constant 0 : index
    %swap3A_11 = vector.load %arg4[%swap3A, %swap3A_10] : memref<16x32xf32, #tpu.memory_space<vmem>>, vector<16x32xf32>
    tpu.vector_store %arg4[%swap3A, %swap3A_10], %add3A_9 {strides = array<i32>} : memref<16x32xf32, #tpu.memory_space<vmem>>, vector<16x32xf32>,
    return
  }
  func.func @transform_0(%arg0: i32) -> (i32, i32) {
    %c0_i32 = arith.constant 0 : i32
    %c0_i32_0 = arith.constant 0 : i32
    %c0_i32_1 = arith.constant 0 : i32
    return %c0_i32, %c0_i32_0 : i32, i32
  }
  func.func @transform_1(%arg0: i32) -> (i32, i32) {
    %c0_i32 = arith.constant 0 : i32
    %c0_i32_0 = arith.constant 0 : i32
    %c0_i32_1 = arith.constant 0 : i32
    return %c0_i32, %c0_i32_0 : i32, i32
  }
  func.func @transform_2(%arg0: i32) -> (i32, i32) {
    %c0_i32 = arith.constant 0 : i32
    %c0_i32_0 = arith.constant 0 : i32
    %c0_i32_1 = arith.constant 0 : i32
    return %c0_i32, %c0_i32_0 : i32, i32
  }
  func.func @transform_3(%arg0: i32) -> (i32, i32) {
    %c0_i32 = arith.constant 0 : i32
    %c0_i32_0 = arith.constant 0 : i32
    %c0_i32_1 = arith.constant 0 : i32
    return %c0_i32, %c0_i32_0 : i32, i32
  }
}

module attributes {stable_mosaic.version = 14 : i64} {
  func.func @_edge_body(%arg0: i32, %arg1: memref<2048x32xf32, #tpu.memory_space<vmem>>, %arg2: memref<16x32xf32, #tpu.memory_space<vmem>>, %arg3: memref<32x64xf32, #tpu.memory_space<vmem>>, %arg4: memref<32x64xf32, #tpu.memory_space<vmem>>, %arg5: memref<1x64xf32, #tpu.memory_space<vmem>>, %arg6: memref<64x64xf32, #tpu.memory_space<vmem>>, %arg7: memref<1x64xf32, #tpu.memory_space<vmem>>, %arg8: memref<64x64xf32, #tpu.memory_space<vmem>>, %arg9: memref<1x64xf32, #tpu.memory_space<vmem>>, %arg10: memref<32x64xf32, #tpu.memory_space<vmem>>, %arg11: memref<64x64xf32, #tpu.memory_space<vmem>>, %arg12: memref<1x64xf32, #tpu.memory_space<vmem>>, %arg13: memref<64x64xf32, #tpu.memory_space<vmem>>, %arg14: memref<1x64xf32, #tpu.memory_space<vmem>>, %arg15: memref<2048x64xf32, #tpu.memory_space<vmem>>) attributes {dimension_semantics = [#tpu.dimension_semantics<arbitrary>], iteration_bounds = array<i64: 200>, scalar_prefetch = 0 : i64, scratch_operands = 0 : i64, tpu.core_type = #tpu.core_type<tc>, window_params = [{transform_indices = @transform_0, window_bounds = array<i64: 2048, 32>}, {pipeline_mode = #tpu.pipeline_mode<synchronous>, transform_indices = @transform_1, window_bounds = array<i64: 16, 32>}, {pipeline_mode = #tpu.pipeline_mode<synchronous>, transform_indices = @transform_2, window_bounds = array<i64: 32, 64>}, {pipeline_mode = #tpu.pipeline_mode<synchronous>, transform_indices = @transform_3, window_bounds = array<i64: 32, 64>}, {pipeline_mode = #tpu.pipeline_mode<synchronous>, transform_indices = @transform_4, window_bounds = array<i64: 1, 64>}, {pipeline_mode = #tpu.pipeline_mode<synchronous>, transform_indices = @transform_5, window_bounds = array<i64: 64, 64>}, {pipeline_mode = #tpu.pipeline_mode<synchronous>, transform_indices = @transform_6, window_bounds = array<i64: 1, 64>}, {pipeline_mode = #tpu.pipeline_mode<synchronous>, transform_indices = @transform_7, window_bounds = array<i64: 64, 64>}, {pipeline_mode = #tpu.pipeline_mode<synchronous>, transform_indices = @transform_8, window_bounds = array<i64: 1, 64>}, {pipeline_mode = #tpu.pipeline_mode<synchronous>, transform_indices = @transform_9, window_bounds = array<i64: 32, 64>}, {pipeline_mode = #tpu.pipeline_mode<synchronous>, transform_indices = @transform_10, window_bounds = array<i64: 64, 64>}, {pipeline_mode = #tpu.pipeline_mode<synchronous>, transform_indices = @transform_11, window_bounds = array<i64: 1, 64>}, {pipeline_mode = #tpu.pipeline_mode<synchronous>, transform_indices = @transform_12, window_bounds = array<i64: 64, 64>}, {pipeline_mode = #tpu.pipeline_mode<synchronous>, transform_indices = @transform_13, window_bounds = array<i64: 1, 64>}, {transform_indices = @transform_14, window_bounds = array<i64: 2048, 64>}]} {
    %get3A = arith.constant 0 : index
    %get3A_0 = arith.constant 0 : index
    %get3A_1 = vector.load %arg1[%get3A, %get3A_0] : memref<2048x32xf32, #tpu.memory_space<vmem>>, vector<2048x32xf32>
    %slice3A = vector.extract_strided_slice %get3A_1 {offsets = [0, 9], sizes = [2048, 1], strides = [1, 1]} : vector<2048x32xf32> to vector<2048x1xf32>
    %iota3A = tpu.iota {dimensions = array<i32: 1>} : vector<1x16xi32>
    %convert_element_type3A = arith.sitofp %iota3A : vector<1x16xi32> to vector<1x16xf32>
    %eq3A = vector.broadcast %slice3A : vector<2048x1xf32> to vector<2048x16xf32>
    %eq3A_2 = vector.broadcast %convert_element_type3A : vector<1x16xf32> to vector<2048x16xf32>
    %eq3A_3 = arith.cmpf oeq, %eq3A, %eq3A_2 : vector<2048x16xf32>
    %convert_element_type3A_4 = arith.extui %eq3A_3 : vector<2048x16xi1> to vector<2048x16xi32>
    %convert_element_type3A_5 = arith.sitofp %convert_element_type3A_4 : vector<2048x16xi32> to vector<2048x16xf32>
    %get3A_6 = arith.constant 0 : index
    %get3A_7 = arith.constant 0 : index
    %get3A_8 = vector.load %arg2[%get3A_6, %get3A_7] : memref<16x32xf32, #tpu.memory_space<vmem>>, vector<16x32xf32>
    %dot_general3A = arith.constant dense<0.000000e+00> : vector<2048x32xf32>
    %dot_general3A_9 = tpu.matmul %convert_element_type3A_5, %get3A_8, %dot_general3A {dimension_numbers = #tpu.dot_dimension_numbers<[1], [0], [0], [1], [0, 0, 1, 1], [], []>, transpose_lhs_hint = false} : vector<2048x16xf32>, vector<16x32xf32>, vector<2048x32xf32> -> vector<2048x32xf32>
    %get3A_10 = arith.constant 0 : index
    %get3A_11 = arith.constant 0 : index
    %get3A_12 = vector.load %arg3[%get3A_10, %get3A_11] : memref<32x64xf32, #tpu.memory_space<vmem>>, vector<32x64xf32>
    %dot_general3A_13 = arith.constant dense<0.000000e+00> : vector<2048x64xf32>
    %dot_general3A_14 = tpu.matmul %get3A_1, %get3A_12, %dot_general3A_13 {dimension_numbers = #tpu.dot_dimension_numbers<[1], [0], [0], [1], [0, 0, 1, 1], [], []>, transpose_lhs_hint = false} : vector<2048x32xf32>, vector<32x64xf32>, vector<2048x64xf32> -> vector<2048x64xf32>
    %get3A_15 = arith.constant 0 : index
    %get3A_16 = arith.constant 0 : index
    %get3A_17 = vector.load %arg4[%get3A_15, %get3A_16] : memref<32x64xf32, #tpu.memory_space<vmem>>, vector<32x64xf32>
    %dot_general3A_18 = arith.constant dense<0.000000e+00> : vector<2048x64xf32>
    %dot_general3A_19 = tpu.matmul %dot_general3A_9, %get3A_17, %dot_general3A_18 {dimension_numbers = #tpu.dot_dimension_numbers<[1], [0], [0], [1], [0, 0, 1, 1], [], []>, transpose_lhs_hint = false} : vector<2048x32xf32>, vector<32x64xf32>, vector<2048x64xf32> -> vector<2048x64xf32>
    %add3A = arith.addf %dot_general3A_14, %dot_general3A_19 : vector<2048x64xf32>
    %get3A_20 = arith.constant 0 : index
    %get3A_21 = arith.constant 0 : index
    %get3A_22 = vector.load %arg5[%get3A_20, %get3A_21] : memref<1x64xf32, #tpu.memory_space<vmem>>, vector<1x64xf32>
    %add3A_23 = vector.broadcast %get3A_22 : vector<1x64xf32> to vector<2048x64xf32>
    %add3A_24 = arith.addf %add3A, %add3A_23 : vector<2048x64xf32>
    %max3A = arith.constant 0.000000e+00 : f32
    %max3A_25 = vector.broadcast %max3A : f32 to vector<2048x64xf32>
    %max3A_26 = arith.maximumf %add3A_24, %max3A_25 : vector<2048x64xf32>
    %get3A_27 = arith.constant 0 : index
    %get3A_28 = arith.constant 0 : index
    %get3A_29 = vector.load %arg6[%get3A_27, %get3A_28] : memref<64x64xf32, #tpu.memory_space<vmem>>, vector<64x64xf32>
    %dot_general3A_30 = arith.constant dense<0.000000e+00> : vector<2048x64xf32>
    %dot_general3A_31 = tpu.matmul %max3A_26, %get3A_29, %dot_general3A_30 {dimension_numbers = #tpu.dot_dimension_numbers<[1], [0], [0], [1], [0, 0, 1, 1], [], []>, transpose_lhs_hint = false} : vector<2048x64xf32>, vector<64x64xf32>, vector<2048x64xf32> -> vector<2048x64xf32>
    %get3A_32 = arith.constant 0 : index
    %get3A_33 = arith.constant 0 : index
    %get3A_34 = vector.load %arg7[%get3A_32, %get3A_33] : memref<1x64xf32, #tpu.memory_space<vmem>>, vector<1x64xf32>
    %add3A_35 = vector.broadcast %get3A_34 : vector<1x64xf32> to vector<2048x64xf32>
    %add3A_36 = arith.addf %dot_general3A_31, %add3A_35 : vector<2048x64xf32>
    %max3A_37 = arith.constant 0.000000e+00 : f32
    %max3A_38 = vector.broadcast %max3A_37 : f32 to vector<2048x64xf32>
    %max3A_39 = arith.maximumf %add3A_36, %max3A_38 : vector<2048x64xf32>
    %get3A_40 = arith.constant 0 : index
    %get3A_41 = arith.constant 0 : index
    %get3A_42 = vector.load %arg8[%get3A_40, %get3A_41] : memref<64x64xf32, #tpu.memory_space<vmem>>, vector<64x64xf32>
    %dot_general3A_43 = arith.constant dense<0.000000e+00> : vector<2048x64xf32>
    %dot_general3A_44 = tpu.matmul %max3A_39, %get3A_42, %dot_general3A_43 {dimension_numbers = #tpu.dot_dimension_numbers<[1], [0], [0], [1], [0, 0, 1, 1], [], []>, transpose_lhs_hint = false} : vector<2048x64xf32>, vector<64x64xf32>, vector<2048x64xf32> -> vector<2048x64xf32>
    %get3A_45 = arith.constant 0 : index
    %get3A_46 = arith.constant 0 : index
    %get3A_47 = vector.load %arg9[%get3A_45, %get3A_46] : memref<1x64xf32, #tpu.memory_space<vmem>>, vector<1x64xf32>
    %add3A_48 = vector.broadcast %get3A_47 : vector<1x64xf32> to vector<2048x64xf32>
    %add3A_49 = arith.addf %dot_general3A_44, %add3A_48 : vector<2048x64xf32>
    %get3A_50 = arith.constant 0 : index
    %get3A_51 = arith.constant 0 : index
    %get3A_52 = vector.load %arg10[%get3A_50, %get3A_51] : memref<32x64xf32, #tpu.memory_space<vmem>>, vector<32x64xf32>
    %dot_general3A_53 = arith.constant dense<0.000000e+00> : vector<2048x64xf32>
    %dot_general3A_54 = tpu.matmul %get3A_1, %get3A_52, %dot_general3A_53 {dimension_numbers = #tpu.dot_dimension_numbers<[1], [0], [0], [1], [0, 0, 1, 1], [], []>, transpose_lhs_hint = false} : vector<2048x32xf32>, vector<32x64xf32>, vector<2048x64xf32> -> vector<2048x64xf32>
    %get3A_55 = arith.constant 0 : index
    %get3A_56 = arith.constant 0 : index
    %get3A_57 = vector.load %arg11[%get3A_55, %get3A_56] : memref<64x64xf32, #tpu.memory_space<vmem>>, vector<64x64xf32>
    %dot_general3A_58 = arith.constant dense<0.000000e+00> : vector<2048x64xf32>
    %dot_general3A_59 = tpu.matmul %add3A_49, %get3A_57, %dot_general3A_58 {dimension_numbers = #tpu.dot_dimension_numbers<[1], [0], [0], [1], [0, 0, 1, 1], [], []>, transpose_lhs_hint = false} : vector<2048x64xf32>, vector<64x64xf32>, vector<2048x64xf32> -> vector<2048x64xf32>
    %add3A_60 = arith.addf %dot_general3A_54, %dot_general3A_59 : vector<2048x64xf32>
    %get3A_61 = arith.constant 0 : index
    %get3A_62 = arith.constant 0 : index
    %get3A_63 = vector.load %arg12[%get3A_61, %get3A_62] : memref<1x64xf32, #tpu.memory_space<vmem>>, vector<1x64xf32>
    %add3A_64 = vector.broadcast %get3A_63 : vector<1x64xf32> to vector<2048x64xf32>
    %add3A_65 = arith.addf %add3A_60, %add3A_64 : vector<2048x64xf32>
    %max3A_66 = arith.constant 0.000000e+00 : f32
    %max3A_67 = vector.broadcast %max3A_66 : f32 to vector<2048x64xf32>
    %max3A_68 = arith.maximumf %add3A_65, %max3A_67 : vector<2048x64xf32>
    %get3A_69 = arith.constant 0 : index
    %get3A_70 = arith.constant 0 : index
    %get3A_71 = vector.load %arg13[%get3A_69, %get3A_70] : memref<64x64xf32, #tpu.memory_space<vmem>>, vector<64x64xf32>
    %dot_general3A_72 = arith.constant dense<0.000000e+00> : vector<2048x64xf32>
    %dot_general3A_73 = tpu.matmul %max3A_68, %get3A_71, %dot_general3A_72 {dimension_numbers = #tpu.dot_dimension_numbers<[1], [0], [0], [1], [0, 0, 1, 1], [], []>, transpose_lhs_hint = false} : vector<2048x64xf32>, vector<64x64xf32>, vector<2048x64xf32> -> vector<2048x64xf32>
    %get3A_74 = arith.constant 0 : index
    %get3A_75 = arith.constant 0 : index
    %get3A_76 = vector.load %arg14[%get3A_74, %get3A_75] : memref<1x64xf32, #tpu.memory_space<vmem>>, vector<1x64xf32>
    %add3A_77 = vector.broadcast %get3A_76 : vector<1x64xf32> to vector<2048x64xf32>
    %add3A_78 = arith.addf %dot_general3A_73, %add3A_77 : vector<2048x64xf32>
    %max3A_79 = arith.constant 0.000000e+00 : f32
    %max3A_80 = vector.broadcast %max3A_79 : f32 to vector<2048x64xf32>
    %max3A_81 = arith.maximumf %add3A_78, %max3A_80 : vector<2048x64xf32>
    %swap3A = arith.constant 0 : index
    %swap3A_82 = arith.constant 0 : index
    %swap3A_83 = vector.load %arg15[%swap3A, %swap3A_82] : memref<2048x64xf32, #tpu.memory_space<vmem>>, vector<2048x64xf32>
    tpu.vector_store %arg15[%swap3A, %swap3A_82], %max3A_81 {strides = array<i32>} : memref<2048x64xf32, #tpu.memory_space<vmem>>, vector<2048x64xf32>,
    return
  }
  func.func @transform_0(%arg0: i32) -> (i32, i32) {
    %c0_i32 = arith.constant 0 : i32
    %c0_i32_0 = arith.constant 0 : i32
    return %arg0, %c0_i32 : i32, i32
  }
  func.func @transform_1(%arg0: i32) -> (i32, i32) {
    %c0_i32 = arith.constant 0 : i32
    %c0_i32_0 = arith.constant 0 : i32
    %c0_i32_1 = arith.constant 0 : i32
    return %c0_i32, %c0_i32_0 : i32, i32
  }
  func.func @transform_2(%arg0: i32) -> (i32, i32) {
    %c0_i32 = arith.constant 0 : i32
    %c0_i32_0 = arith.constant 0 : i32
    %c0_i32_1 = arith.constant 0 : i32
    return %c0_i32, %c0_i32_0 : i32, i32
  }
  func.func @transform_3(%arg0: i32) -> (i32, i32) {
    %c0_i32 = arith.constant 0 : i32
    %c0_i32_0 = arith.constant 0 : i32
    %c0_i32_1 = arith.constant 0 : i32
    return %c0_i32, %c0_i32_0 : i32, i32
  }
  func.func @transform_4(%arg0: i32) -> (i32, i32) {
    %c0_i32 = arith.constant 0 : i32
    %c0_i32_0 = arith.constant 0 : i32
    %c0_i32_1 = arith.constant 0 : i32
    return %c0_i32, %c0_i32_0 : i32, i32
  }
  func.func @transform_5(%arg0: i32) -> (i32, i32) {
    %c0_i32 = arith.constant 0 : i32
    %c0_i32_0 = arith.constant 0 : i32
    %c0_i32_1 = arith.constant 0 : i32
    return %c0_i32, %c0_i32_0 : i32, i32
  }
  func.func @transform_6(%arg0: i32) -> (i32, i32) {
    %c0_i32 = arith.constant 0 : i32
    %c0_i32_0 = arith.constant 0 : i32
    %c0_i32_1 = arith.constant 0 : i32
    return %c0_i32, %c0_i32_0 : i32, i32
  }
  func.func @transform_7(%arg0: i32) -> (i32, i32) {
    %c0_i32 = arith.constant 0 : i32
    %c0_i32_0 = arith.constant 0 : i32
    %c0_i32_1 = arith.constant 0 : i32
    return %c0_i32, %c0_i32_0 : i32, i32
  }
  func.func @transform_8(%arg0: i32) -> (i32, i32) {
    %c0_i32 = arith.constant 0 : i32
    %c0_i32_0 = arith.constant 0 : i32
    %c0_i32_1 = arith.constant 0 : i32
    return %c0_i32, %c0_i32_0 : i32, i32
  }
  func.func @transform_9(%arg0: i32) -> (i32, i32) {
    %c0_i32 = arith.constant 0 : i32
    %c0_i32_0 = arith.constant 0 : i32
    %c0_i32_1 = arith.constant 0 : i32
    return %c0_i32, %c0_i32_0 : i32, i32
  }
  func.func @transform_10(%arg0: i32) -> (i32, i32) {
    %c0_i32 = arith.constant 0 : i32
    %c0_i32_0 = arith.constant 0 : i32
    %c0_i32_1 = arith.constant 0 : i32
    return %c0_i32, %c0_i32_0 : i32, i32
  }
  func.func @transform_11(%arg0: i32) -> (i32, i32) {
    %c0_i32 = arith.constant 0 : i32
    %c0_i32_0 = arith.constant 0 : i32
    %c0_i32_1 = arith.constant 0 : i32
    return %c0_i32, %c0_i32_0 : i32, i32
  }
  func.func @transform_12(%arg0: i32) -> (i32, i32) {
    %c0_i32 = arith.constant 0 : i32
    %c0_i32_0 = arith.constant 0 : i32
    %c0_i32_1 = arith.constant 0 : i32
    return %c0_i32, %c0_i32_0 : i32, i32
  }
  func.func @transform_13(%arg0: i32) -> (i32, i32) {
    %c0_i32 = arith.constant 0 : i32
    %c0_i32_0 = arith.constant 0 : i32
    %c0_i32_1 = arith.constant 0 : i32
    return %c0_i32, %c0_i32_0 : i32, i32
  }
  func.func @transform_14(%arg0: i32) -> (i32, i32) {
    %c0_i32 = arith.constant 0 : i32
    %c0_i32_0 = arith.constant 0 : i32
    return %arg0, %c0_i32 : i32, i32
  }
}

module attributes {stable_mosaic.version = 14 : i64} {
  func.func @_node_body(%arg0: i32, %arg1: memref<1024x16xf32, #tpu.memory_space<vmem>>, %arg2: memref<1024x64xf32, #tpu.memory_space<vmem>>, %arg3: memref<1024x64xf32, #tpu.memory_space<vmem>>, %arg4: memref<1024x1xf32, #tpu.memory_space<vmem>>, %arg5: memref<1024x1xf32, #tpu.memory_space<vmem>>, %arg6: memref<1024x1xi32, #tpu.memory_space<vmem>>, %arg7: memref<16x32xf32, #tpu.memory_space<vmem>>, %arg8: memref<16x64xf32, #tpu.memory_space<vmem>>, %arg9: memref<64x64xf32, #tpu.memory_space<vmem>>, %arg10: memref<32x64xf32, #tpu.memory_space<vmem>>, %arg11: memref<1x64xf32, #tpu.memory_space<vmem>>, %arg12: memref<64x1xf32, #tpu.memory_space<vmem>>, %arg13: memref<1x1xf32, #tpu.memory_space<vmem>>, %arg14: memref<1024x1xf32, #tpu.memory_space<vmem>>) attributes {dimension_semantics = [#tpu.dimension_semantics<arbitrary>], iteration_bounds = array<i64: 49>, scalar_prefetch = 0 : i64, scratch_operands = 0 : i64, tpu.core_type = #tpu.core_type<tc>, window_params = [{transform_indices = @transform_0, window_bounds = array<i64: 1024, 16>}, {transform_indices = @transform_1, window_bounds = array<i64: 1024, 64>}, {transform_indices = @transform_2, window_bounds = array<i64: 1024, 64>}, {transform_indices = @transform_3, window_bounds = array<i64: 1024, 1>}, {transform_indices = @transform_4, window_bounds = array<i64: 1024, 1>}, {transform_indices = @transform_5, window_bounds = array<i64: 1024, 1>}, {pipeline_mode = #tpu.pipeline_mode<synchronous>, transform_indices = @transform_6, window_bounds = array<i64: 16, 32>}, {pipeline_mode = #tpu.pipeline_mode<synchronous>, transform_indices = @transform_7, window_bounds = array<i64: 16, 64>}, {pipeline_mode = #tpu.pipeline_mode<synchronous>, transform_indices = @transform_8, window_bounds = array<i64: 64, 64>}, {pipeline_mode = #tpu.pipeline_mode<synchronous>, transform_indices = @transform_9, window_bounds = array<i64: 32, 64>}, {pipeline_mode = #tpu.pipeline_mode<synchronous>, transform_indices = @transform_10, window_bounds = array<i64: 1, 64>}, {pipeline_mode = #tpu.pipeline_mode<synchronous>, transform_indices = @transform_11, window_bounds = array<i64: 64, 1>}, {pipeline_mode = #tpu.pipeline_mode<synchronous>, transform_indices = @transform_12, window_bounds = array<i64: 1, 1>}, {transform_indices = @transform_13, window_bounds = array<i64: 1024, 1>}]} {
    %get3A = arith.constant 0 : index
    %get3A_0 = arith.constant 0 : index
    %get3A_1 = vector.load %arg4[%get3A, %get3A_0] : memref<1024x1xf32, #tpu.memory_space<vmem>>, vector<1024x1xf32>
    %get3A_2 = arith.constant 0 : index
    %get3A_3 = arith.constant 0 : index
    %get3A_4 = vector.load %arg5[%get3A_2, %get3A_3] : memref<1024x1xf32, #tpu.memory_space<vmem>>, vector<1024x1xf32>
    %add3A = arith.addf %get3A_1, %get3A_4 : vector<1024x1xf32>
    %max3A = arith.constant 1.000000e+00 : f32
    %max3A_5 = vector.broadcast %max3A : f32 to vector<1024x1xf32>
    %max3A_6 = arith.maximumf %add3A, %max3A_5 : vector<1024x1xf32>
    %div3A = arith.constant 1.000000e+00 : f32
    %div3A_7 = vector.broadcast %div3A : f32 to vector<1024x1xf32>
    %div3A_8 = arith.divf %div3A_7, %max3A_6 : vector<1024x1xf32>
    %get3A_9 = arith.constant 0 : index
    %get3A_10 = arith.constant 0 : index
    %get3A_11 = vector.load %arg6[%get3A_9, %get3A_10] : memref<1024x1xi32, #tpu.memory_space<vmem>>, vector<1024x1xi32>
    %iota3A = tpu.iota {dimensions = array<i32: 1>} : vector<1x16xi32>
    %eq3A = vector.broadcast %get3A_11 : vector<1024x1xi32> to vector<1024x16xi32>
    %eq3A_12 = vector.broadcast %iota3A : vector<1x16xi32> to vector<1024x16xi32>
    %eq3A_13 = arith.cmpi eq, %eq3A, %eq3A_12 : vector<1024x16xi32>
    %convert_element_type3A = arith.extui %eq3A_13 : vector<1024x16xi1> to vector<1024x16xi32>
    %convert_element_type3A_14 = arith.sitofp %convert_element_type3A : vector<1024x16xi32> to vector<1024x16xf32>
    %get3A_15 = arith.constant 0 : index
    %get3A_16 = arith.constant 0 : index
    %get3A_17 = vector.load %arg7[%get3A_15, %get3A_16] : memref<16x32xf32, #tpu.memory_space<vmem>>, vector<16x32xf32>
    %dot_general3A = arith.constant dense<0.000000e+00> : vector<1024x32xf32>
    %dot_general3A_18 = tpu.matmul %convert_element_type3A_14, %get3A_17, %dot_general3A {dimension_numbers = #tpu.dot_dimension_numbers<[1], [0], [0], [1], [0, 0, 1, 1], [], []>, transpose_lhs_hint = false} : vector<1024x16xf32>, vector<16x32xf32>, vector<1024x32xf32> -> vector<1024x32xf32>
    %get3A_19 = arith.constant 0 : index
    %get3A_20 = arith.constant 0 : index
    %get3A_21 = vector.load %arg2[%get3A_19, %get3A_20] : memref<1024x64xf32, #tpu.memory_space<vmem>>, vector<1024x64xf32>
    %get3A_22 = arith.constant 0 : index
    %get3A_23 = arith.constant 0 : index
    %get3A_24 = vector.load %arg3[%get3A_22, %get3A_23] : memref<1024x64xf32, #tpu.memory_space<vmem>>, vector<1024x64xf32>
    %add3A_25 = arith.addf %get3A_21, %get3A_24 : vector<1024x64xf32>
    %mul3A = vector.broadcast %div3A_8 : vector<1024x1xf32> to vector<1024x64xf32>
    %mul3A_26 = arith.mulf %add3A_25, %mul3A : vector<1024x64xf32>
    %get3A_27 = arith.constant 0 : index
    %get3A_28 = arith.constant 0 : index
    %get3A_29 = vector.load %arg1[%get3A_27, %get3A_28] : memref<1024x16xf32, #tpu.memory_space<vmem>>, vector<1024x16xf32>
    %get3A_30 = arith.constant 0 : index
    %get3A_31 = arith.constant 0 : index
    %get3A_32 = vector.load %arg8[%get3A_30, %get3A_31] : memref<16x64xf32, #tpu.memory_space<vmem>>, vector<16x64xf32>
    %dot_general3A_33 = arith.constant dense<0.000000e+00> : vector<1024x64xf32>
    %dot_general3A_34 = tpu.matmul %get3A_29, %get3A_32, %dot_general3A_33 {dimension_numbers = #tpu.dot_dimension_numbers<[1], [0], [0], [1], [0, 0, 1, 1], [], []>, transpose_lhs_hint = false} : vector<1024x16xf32>, vector<16x64xf32>, vector<1024x64xf32> -> vector<1024x64xf32>
    %get3A_35 = arith.constant 0 : index
    %get3A_36 = arith.constant 0 : index
    %get3A_37 = vector.load %arg9[%get3A_35, %get3A_36] : memref<64x64xf32, #tpu.memory_space<vmem>>, vector<64x64xf32>
    %dot_general3A_38 = arith.constant dense<0.000000e+00> : vector<1024x64xf32>
    %dot_general3A_39 = tpu.matmul %mul3A_26, %get3A_37, %dot_general3A_38 {dimension_numbers = #tpu.dot_dimension_numbers<[1], [0], [0], [1], [0, 0, 1, 1], [], []>, transpose_lhs_hint = false} : vector<1024x64xf32>, vector<64x64xf32>, vector<1024x64xf32> -> vector<1024x64xf32>
    %add3A_40 = arith.addf %dot_general3A_34, %dot_general3A_39 : vector<1024x64xf32>
    %get3A_41 = arith.constant 0 : index
    %get3A_42 = arith.constant 0 : index
    %get3A_43 = vector.load %arg10[%get3A_41, %get3A_42] : memref<32x64xf32, #tpu.memory_space<vmem>>, vector<32x64xf32>
    %dot_general3A_44 = arith.constant dense<0.000000e+00> : vector<1024x64xf32>
    %dot_general3A_45 = tpu.matmul %dot_general3A_18, %get3A_43, %dot_general3A_44 {dimension_numbers = #tpu.dot_dimension_numbers<[1], [0], [0], [1], [0, 0, 1, 1], [], []>, transpose_lhs_hint = false} : vector<1024x32xf32>, vector<32x64xf32>, vector<1024x64xf32> -> vector<1024x64xf32>
    %add3A_46 = arith.addf %add3A_40, %dot_general3A_45 : vector<1024x64xf32>
    %get3A_47 = arith.constant 0 : index
    %get3A_48 = arith.constant 0 : index
    %get3A_49 = vector.load %arg11[%get3A_47, %get3A_48] : memref<1x64xf32, #tpu.memory_space<vmem>>, vector<1x64xf32>
    %add3A_50 = vector.broadcast %get3A_49 : vector<1x64xf32> to vector<1024x64xf32>
    %add3A_51 = arith.addf %add3A_46, %add3A_50 : vector<1024x64xf32>
    %max3A_52 = arith.constant 0.000000e+00 : f32
    %max3A_53 = vector.broadcast %max3A_52 : f32 to vector<1024x64xf32>
    %max3A_54 = arith.maximumf %add3A_51, %max3A_53 : vector<1024x64xf32>
    %get3A_55 = arith.constant 0 : index
    %get3A_56 = arith.constant 0 : index
    %get3A_57 = vector.load %arg12[%get3A_55, %get3A_56] : memref<64x1xf32, #tpu.memory_space<vmem>>, vector<64x1xf32>
    %dot_general3A_58 = arith.constant dense<0.000000e+00> : vector<1024x1xf32>
    %dot_general3A_59 = tpu.matmul %max3A_54, %get3A_57, %dot_general3A_58 {dimension_numbers = #tpu.dot_dimension_numbers<[1], [0], [0], [1], [0, 0, 1, 1], [], []>, transpose_lhs_hint = false} : vector<1024x64xf32>, vector<64x1xf32>, vector<1024x1xf32> -> vector<1024x1xf32>
    %get3A_60 = arith.constant 0 : index
    %get3A_61 = arith.constant 0 : index
    %get3A_62 = vector.load %arg13[%get3A_60, %get3A_61] : memref<1x1xf32, #tpu.memory_space<vmem>>, vector<1x1xf32>
    %add3A_63 = vector.broadcast %get3A_62 : vector<1x1xf32> to vector<1024x1xf32>
    %add3A_64 = arith.addf %dot_general3A_59, %add3A_63 : vector<1024x1xf32>
    %swap3A = arith.constant 0 : index
    %swap3A_65 = arith.constant 0 : index
    %swap3A_66 = vector.load %arg14[%swap3A, %swap3A_65] : memref<1024x1xf32, #tpu.memory_space<vmem>>, vector<1024x1xf32>
    tpu.vector_store %arg14[%swap3A, %swap3A_65], %add3A_64 {strides = array<i32>} : memref<1024x1xf32, #tpu.memory_space<vmem>>, vector<1024x1xf32>,
    return
  }
  func.func @transform_0(%arg0: i32) -> (i32, i32) {
    %c0_i32 = arith.constant 0 : i32
    %c0_i32_0 = arith.constant 0 : i32
    return %arg0, %c0_i32 : i32, i32
  }
  func.func @transform_1(%arg0: i32) -> (i32, i32) {
    %c0_i32 = arith.constant 0 : i32
    %c0_i32_0 = arith.constant 0 : i32
    return %arg0, %c0_i32 : i32, i32
  }
  func.func @transform_2(%arg0: i32) -> (i32, i32) {
    %c0_i32 = arith.constant 0 : i32
    %c0_i32_0 = arith.constant 0 : i32
    return %arg0, %c0_i32 : i32, i32
  }
  func.func @transform_3(%arg0: i32) -> (i32, i32) {
    %c0_i32 = arith.constant 0 : i32
    %c0_i32_0 = arith.constant 0 : i32
    return %arg0, %c0_i32 : i32, i32
  }
  func.func @transform_4(%arg0: i32) -> (i32, i32) {
    %c0_i32 = arith.constant 0 : i32
    %c0_i32_0 = arith.constant 0 : i32
    return %arg0, %c0_i32 : i32, i32
  }
  func.func @transform_5(%arg0: i32) -> (i32, i32) {
    %c0_i32 = arith.constant 0 : i32
    %c0_i32_0 = arith.constant 0 : i32
    return %arg0, %c0_i32 : i32, i32
  }
  func.func @transform_6(%arg0: i32) -> (i32, i32) {
    %c0_i32 = arith.constant 0 : i32
    %c0_i32_0 = arith.constant 0 : i32
    %c0_i32_1 = arith.constant 0 : i32
    return %c0_i32, %c0_i32_0 : i32, i32
  }
  func.func @transform_7(%arg0: i32) -> (i32, i32) {
    %c0_i32 = arith.constant 0 : i32
    %c0_i32_0 = arith.constant 0 : i32
    %c0_i32_1 = arith.constant 0 : i32
    return %c0_i32, %c0_i32_0 : i32, i32
  }
  func.func @transform_8(%arg0: i32) -> (i32, i32) {
    %c0_i32 = arith.constant 0 : i32
    %c0_i32_0 = arith.constant 0 : i32
    %c0_i32_1 = arith.constant 0 : i32
    return %c0_i32, %c0_i32_0 : i32, i32
  }
  func.func @transform_9(%arg0: i32) -> (i32, i32) {
    %c0_i32 = arith.constant 0 : i32
    %c0_i32_0 = arith.constant 0 : i32
    %c0_i32_1 = arith.constant 0 : i32
    return %c0_i32, %c0_i32_0 : i32, i32
  }
  func.func @transform_10(%arg0: i32) -> (i32, i32) {
    %c0_i32 = arith.constant 0 : i32
    %c0_i32_0 = arith.constant 0 : i32
    %c0_i32_1 = arith.constant 0 : i32
    return %c0_i32, %c0_i32_0 : i32, i32
  }
  func.func @transform_11(%arg0: i32) -> (i32, i32) {
    %c0_i32 = arith.constant 0 : i32
    %c0_i32_0 = arith.constant 0 : i32
    %c0_i32_1 = arith.constant 0 : i32
    return %c0_i32, %c0_i32_0 : i32, i32
  }
  func.func @transform_12(%arg0: i32) -> (i32, i32) {
    %c0_i32 = arith.constant 0 : i32
    %c0_i32_0 = arith.constant 0 : i32
    %c0_i32_1 = arith.constant 0 : i32
    return %c0_i32, %c0_i32_0 : i32, i32
  }
  func.func @transform_13(%arg0: i32) -> (i32, i32) {
    %c0_i32 = arith.constant 0 : i32
    %c0_i32_0 = arith.constant 0 : i32
    return %arg0, %c0_i32 : i32, i32
  }
}

</mosaic_0001>

<sc_bundles>
// kernel: kernel.10.cloned.1.call-start
scs
__scs_entry_jumppad:
0x0: {  	(pc) =	sbr.rel $0x88, $3  }
0x1: {  	(tag) =	ssettag $0x0;
	lr =	simm.s32 $0x1  }
0x2: {  	[smem:$0x3F8C] =	sst lr;
	_ =	strace $0xD0000000  }
0x3: {  	_ = 	snop  }
0x4: {  	_ = 	snop  }
0x5: {  	_ = 	snop  }
0x6: {  	_ = 	snop  }
0x7: {  	_ = 	snop  }
__scs_overlays_trampoline_lowered:
0x8: {  	[smem:$0x3F9B] =	sst s0  }
0x9: {  	[smem:$0x3F9C] =	sst s1  }
0xa: {  	[smem:$0x3F9D] =	sst s2  }
0xb: {  	[smem:$0x3F9E] =	sst s3  }
0xc: {  	[smem:$0x3F9F] =	sst s4  }
0xd: {  	[smem:$0x3FA0] =	sst s5  }
0xe: {  	[smem:$0x3FA1] =	sst s6  }
0xf: {  	[smem:$0x3FA2] =	sst s7  }
0x10: {  	[smem:$0x3FA3] =	sst s8  }
0x11: {  	[smem:$0x3FA4] =	sst s9;
	s0 =	simm.s32 @!p0 $0x0  }
0x12: {  	s1 =	sld [smem:$0x3F8A];
	s0 =	simm.s32 @p0 $0x1  }
0x13: {  	[smem:$0x3FA5] =	sst s0;
	s0 =	simm.s32 @!p1 $0x0  }
0x14: {  	s2 =	sld [smem:$0x3F89];
	s0 =	simm.s32 @p1 $0x1  }
0x15: {  	[smem:$0x3FA6] =	sst s0;
	s0 =	simm.s32 @!p2 $0x0  }
0x16: {  	s3 =	sld [smem:$0x3FDB];
	s0 =	simm.s32 @p2 $0x1  }
0x17: {  	s4 =	simm.s32 $0x1BF5;
	[smem:$0x3FA8] =	sst s0  }
0x18: {  	s0 =	sld [smem:$0x3F8B];
	_ =	swait.ge [sflag:s4], $0x0  }
0x19: {  	s7 =	sld [smem:$0x3F8C]  }
0x1a: {  	s8 =	sadd.s32 $0xFFFFE003, lr  }
0x1b: {  	s9 =	sadd.s32 $0xFFFFFEF7, lr;
	s5 =	simm.s32 $0xFFFFFFFF;
	p2 =	slt.u32 s8, $0xFFFFF086  }
0x1c: {  	p1 =	slt.u32 s9, $0xF7A;
	s5 =	simm.s32 @!p2 $0x0  }
0x1d: {  	s5 =	simm.s32 @p1 $0x1;
	p0 =	seq.s32 s7, s2  }
0x1e: {  	s7 =	smul.u32 @!p0 $0xF7A, s2;
	p2 =	seq.s32 @!p0 s5, $0x0  }
0x1f: {  	s9 =	smul.u32 $0xF7A, s1;
	s8 =	simm.s32 @!p0 $0x1BF5;
	p2 =	por !p2, p0  }
0x20: {  	[sflag:s8] =	ssyncset.s32 @!p0 $0xFFFFF086;
	s6 =	sadd.s32 @!p0 s3, s7;
	s7 =	simm.s32 @!p0 $0x108  }
0x21: {  	s3 =	sadd.s32 s3, s9;
	s6 =	sadd.s32 @!p0 $0x88, s6;
	s7 =	simm.s32 @p2 $0x1082  }
0x22: {  	[simem:s7], [sflag:s8] =	dma.local @!p0 [hbm:s6], $0xF7A  }
0x23: {  	s9 =	sor.u32 $0xD0000000, s2;
	s6 =	simm.s32 $0x108;
	_ =	swait.ge @!p0 [sflag:s8], $0x0  }
0x24: {  	s3 =	sadd.s32 $0x88, s3;
	s6 =	simm.s32 @!p1 $0x1082;
	[sflag:s4] =	ssyncset.s32 $0xFFFFF086  }
0x25: {  	[simem:s6], [sflag:s4] =	dma.local [hbm:s3], $0xF7A  }
0x26: {  	[smem:$0x3F8C] =	sst s1;
	(tag) =	ssettag s2;
	_ =	strace s9  }
0x27: {  	s1 =	sld [smem:$0x3F9C]  }
0x28: {  	s2 =	sld [smem:$0x3F9D]  }
0x29: {  	s4 =	sld [smem:$0x3F9F]  }
0x2a: {  	p0 =	seq.s32 s5, $0x0;
	s5 =	sld [smem:$0x3FA0]  }
0x2b: {  	s6 =	sld [smem:$0x3FA1]  }
0x2c: {  	s7 =	sld [smem:$0x3FA2]  }
0x2d: {  	s3 =	simm.s32 $0x108;
	s8 =	sld [smem:$0x3FA3]  }
0x2e: {  	s3 =	simm.s32 @!p0 $0x1082;
	s9 =	sld [smem:$0x3FA4]  }
0x2f: {  	lr =	sadd.s32 s0, s3;
	s0 =	sld [smem:$0x3F9B]  }
0x30: {  	s3 =	sld [smem:$0x3F9E]  }
0x31: {  	[smem:$0x3FA7] =	sst s10  }
0x32: {  	s10 =	sld [smem:$0x3FA5];
	_ =	sdelay $0x3  }
0x33: {  	p0 =	seq.s32 s10, $0x1;
	s10 =	sld [smem:$0x3FA7];
	_ =	sdelay $0x3  }
0x34: {  	[smem:$0x3FA7] =	sst s10  }
0x35: {  	s10 =	sld [smem:$0x3FA6];
	_ =	sdelay $0x3  }
0x36: {  	p1 =	seq.s32 s10, $0x1;
	s10 =	sld [smem:$0x3FA7];
	_ =	sdelay $0x3  }
0x37: {  	[smem:$0x3FA7] =	sst s10  }
0x38: {  	s10 =	sld [smem:$0x3FA8]  }
0x39: {  	_ = 	snop;
	(pc) =	sbr.ind lr, $3  }
0x3a: {  	_ = 	snop  }
0x3b: {  	_ = 	snop  }
0x3c: {  	p2 =	seq.s32 s10, $0x1;
	s10 =	sld [smem:$0x3FA7]  }
0x3d: {  	_ =	shalt  }
0x3e: {  	_ =	shalt  }
0x3f: {  	_ =	shalt  }
0x40: {  	_ =	shalt  }
0x41: {  	_ =	shalt  }
0x42: {  	_ =	shalt  }
0x43: {  	_ =	shalt  }
0x44: {  	_ =	shalt  }
0x45: {  	_ =	shalt  }
0x46: {  	_ =	shalt  }
0x47: {  	_ =	shalt  }
0x48: {  	_ =	shalt  }
0x49: {  	_ =	shalt  }
0x4a: {  	_ =	shalt  }
0x4b: {  	_ =	shalt  }
0x4c: {  	_ =	shalt  }
0x4d: {  	_ =	shalt  }
0x4e: {  	_ =	shalt  }
0x4f: {  	_ =	shalt  }
0x50: {  	_ =	shalt  }
0x51: {  	_ =	shalt  }
0x52: {  	_ =	shalt  }
0x53: {  	_ =	shalt  }
0x54: {  	_ =	shalt  }
0x55: {  	_ =	shalt  }
0x56: {  	_ =	shalt  }
0x57: {  	_ =	shalt  }
0x58: {  	_ =	shalt  }
0x59: {  	_ =	shalt  }
0x5a: {  	_ =	shalt  }
0x5b: {  	_ =	shalt  }
0x5c: {  	_ =	shalt  }
0x5d: {  	_ =	shalt  }
0x5e: {  	_ =	shalt  }
0x5f: {  	_ =	shalt  }
0x60: {  	_ =	shalt  }
0x61: {  	_ =	shalt  }
0x62: {  	_ =	shalt  }
0x63: {  	_ =	shalt  }
0x64: {  	_ =	shalt  }
0x65: {  	_ =	shalt  }
0x66: {  	_ =	shalt  }
0x67: {  	_ =	shalt  }
0x68: {  	_ =	shalt  }
0x69: {  	_ =	shalt  }
0x6a: {  	_ =	shalt  }
0x6b: {  	_ =	shalt  }
0x6c: {  	_ =	shalt  }
0x6d: {  	_ =	shalt  }
0x6e: {  	_ =	shalt  }
0x6f: {  	_ =	shalt  }
0x70: {  	_ =	shalt  }
0x71: {  	_ =	shalt  }
0x72: {  	_ =	shalt  }
0x73: {  	_ =	shalt  }
0x74: {  	_ =	shalt  }
0x75: {  	_ =	shalt  }
0x76: {  	_ =	shalt  }
0x77: {  	_ =	shalt  }
0x78: {  	_ =	shalt  }
0x79: {  	_ =	shalt  }
0x7a: {  	_ =	shalt  }
0x7b: {  	_ =	shalt  }
0x7c: {  	_ =	shalt  }
0x7d: {  	_ =	shalt  }
0x7e: {  	_ =	shalt  }
0x7f: {  	_ =	shalt  }
0x80: {  	_ =	shalt  }
0x81: {  	_ =	shalt  }
0x82: {  	_ =	shalt  }
0x83: {  	_ =	shalt  }
0x84: {  	_ =	shalt  }
0x85: {  	_ =	shalt  }
0x86: {  	_ =	shalt  }
0x87: {  	_ =	shalt  }
.Lfunc_end0:
.L_simem_size_0:
called_computation_lowered:
.L_overlay_start_0:
0x88: {  	s2 =	sld [smem:$0x3FD9]  }
0x89: {  	s3 =	sld [smem:$0x3FFE];
	_ =	sdelay $0x1  }
0x8a: {  	s1 =	srdreg.scid  }
0x8b: {  	s0 =	sand.u32 $0x1, s1  }
0x8c: {  	s16 =	sshll.u32 s0, $0xA;
	s2 =	sadd.s32 s3, s2  }
0x8d: {  	s2 =	sadd.s32 s2, s16  }
0x8e: {  	[smem:$0x3FB3] =	sst s2  }
0x8f: {  	_ = 	snop  }
0x90: {  	(tm) =	ssettm $0x1  }
0x91: {  	s17 =	sld [smem:$0x3FFB];
	_ =	sdelay $0x3  }
0x92: {  	_ =	strace s17  }
0x93: {  	s2 =	sld [smem:$0x3FFC];
	_ =	sdelay $0x3  }
0x94: {  	_ =	strace s2  }
0x95: {  	s2 =	sld [smem:$0x3FFD];
	_ =	sdelay $0x3  }
0x96: {  	_ =	strace s2  }
0x97: {  	_ =	strace $0x8FFFFFFF  }
0x98: {  	s18 =	sld [smem:$0x3FDB];
	_ =	sdelay $0x1  }
0x99: {  	s19 =	simm.s32 $_scs_section_size  }
0x9a: {  	s4 =	simm.s32 $_size__tile_overlayer_lowered;
	s5 =	simm.s32 $_tile_overlayer_lowered  }
0x9b: {  	s22 =	simm.s32 $0x1BFF;
	s21 =	sshll.u32 s5, $0x1;
	s2 =	sadd.s32 s19, s18  }
0x9c: {  	s6 =	simm.s32 $0x0;
	s20 =	sshll.u32 s4, $0x1;
	s4 =	sadd.s32 s21, s2  }
0x9d: {  	[timem:s6], [sflag:s22] =	dma.local [hbm:s4], s20  }
0x9e: {  	_ =	swait.ge [sflag:s22], s20  }
0x9f: {  	s3 =	ssub.s32 $0x0, s20;
	[sflag:s22] =	ssyncset.done $0x0  }
0xa0: {  	[sflag:s22] =	ssyncadd.s32 s3;
	_ =	sdelay $0x1  }
0xa1: {  	s23 =	simm.s32 $0x1B8B  }
0xa2: {  	_ =	swait.ge [sflag:s23], $0x1  }
0xa3: {  	[sflag:s23] =	ssyncset.done $0x0  }
0xa4: {  	s25 =	simm.s32 $0x1B8E;
	s24 =	sld [smem:$0x3FFE];
	[sflag:s23] =	ssyncadd.s32 $0xFFFFFFFF  }
0xa5: {  	s26 =	simm.s32 $execute0_lowered;
	[smem:$0x3FD2] =	sst s25  }
0xa6: {  	s4 =	sshll.u32 s26, $0x1;
	_ =	strace $0x80000046;
	[dreg:$0x1] =	wrdreg $0xFFFFFFFF  }
0xa7: {  	s28 =	simm.s32 $_size_execute0_lowered;
	s2 =	sadd.s32 s2, s4;
	[dreg:$0x0] =	wrdreg $0x0  }
0xa8: {  	s4 =	sshll.u32 s28, $0x1;
	[dreg:$0x2] =	wrdreg s2  }
0xa9: {  	[dreg:$0x3] =	wrdreg s4  }
0xaa: {  	[dreg:$0x4] =	wrdreg $0xC0  }
0xab: {  	_ =	task [dreg:s6], $0x5FFFF  }
0xac: {  	[dreg:$0x1] =	wrdreg $0xFFFFFFFF  }
0xad: {  	[dreg:$0x0] =	wrdreg $0x60  }
0xae: {  	[dreg:$0x2] =	wrdreg s24  }
0xaf: {  	[dreg:$0x3] =	wrdreg $0xA  }
0xb0: {  	_ =	task.clear_ibuf [dreg:s6], $0x4FFFF;
	_ =	strace $0x90000046  }
0xb1: {  	s29 =	simm.s32 $0xA;
	_ =	strace $0x80000048  }
0xb2: {  	_ =	swait.ge [sflag:s29], $0x1  }
0xb3: {  	[sflag:s29] =	ssyncadd.s32 $0xFFFFFFFF  }
0xb4: {  	_ =	strace $0x90000048  }
0xb5: {  	_ =	sfence  }
0xb6: {  	s30 =	sld [smem:$0x0];
	_ =	sdelay $0x2  }
0xb7: {  	s31 =	sshll.u32 s1, $0xD;
	s1 =	sshrl.u32 s1, $0x2  }
0xb8: {  	s3 =	sand.u32 $0x4000, s31;
	s1 =	sadd.s32 s1, s30  }
0xb9: {  	s0 =	sor.u32 s3, s0;
	s1 =	sshll.u32 s1, $0x11  }
0xba: {  	s0 =	sor.u32 s1, s0  }
0xbb: {  	s0 =	sadd.s32 $0x8F2B, s0  }
0xbc: {  	[sflag:s0] =	ssyncadd.remote.s32 $0x1  }
0xbd: {  	_ =	sfence.sel $0xFFFF  }
0xbe: {  	[dreg:$0x0] =	wrdreg $0xFFFFFFFF;
	(pc) =	sbr.abs _section_cstart, $3  }
0xbf: {  	[dreg:$0x1] =	wrdreg $0xFFFFFFFF  }
0xc0: {  	_ =	task.clear_ibuf [dreg:s6], $0x2FFFF;
	_ =	strace $0x9FFFFFFF  }
0xc1: {  	(tm) =	ssettm $0x7FFFFFFF  }
tec
execute0_lowered:
.L_overlay_start_1:
0x0: {  	(tag) =	ssettag $0x1  }
0x1: {  	s9 =	rddreg [dreg:$0x0]  }
0x2: {  	s0 =	rddreg [dreg:$0x1];
	s1 =	simm.s32 $0x0  }
0x3: {  	s6 =	srdreg.scid;
	s2 =	stileid.u32;
	s13 =	simm.s32 $0x12C0  }
0x4: {  	s14 =	simm.s32 $0x76C0;
	s15 =	simm.s32 $0x1;
	s16 =	simm.s32 $0x2  }
0x5: {  	s17 =	simm.s32 $0x10;
	s18 =	simm.s32 $0x20;
	s23 =	simm.s32 $0x0  }
0x6: {  	[smem:$0x7FF] =	sst s1;
	s3 =	sadd.s32 $0xCA400, s9;
	s4 =	sadd.s32 $0xEF400, s9  }
0x7: {  	s5 =	sadd.s32 $0xE2C00, s9;
	s8 =	sand.u32 $0x1, s6;
	s6 =	sadd.s32 $0xFBC00, s9  }
0x8: {  	s11 =	sshll.u32 s2, $0x1;
	s7 =	sadd.s32 $0x108400, s9;
	s10 =	ssub.s32 $0x2, s8  }
0x9: {  	s9 =	sadd.s32 $0x108402, s9;
	_ =	strace $0x80000047;
	s12 =	sshrl.u32 s10, $0x1  }
0xa: {  	v0 =	vlaneseq.u32;
	s8 =	sor.u32 s8, s11;
	s11 =	simm.s32 $0x3;
	s10 =	ssub.s32 s10, s12  }
0xb: {  	v0 =	vmul.u32 $0x10, v0;
	s8 =	smul.u32 $0x3200, s8;
	s12 =	simm.s32 $0x640;
	s10 =	smax.u32 s10, $0x1  }
.LBB2_1:
0xc: {  	s19 =	simm.s32 $0x0  }
.LBB2_2:
0xd: {  	s20 =	smul.u32 $0x640, s19;
	_ =	sdelay $0x1  }
0xe: {  	s20 =	sadd.s32 s8, s20  }
0xf: {  	s21 =	sshrl.u32 s20, $0x3  }
0x10: {  	s22 =	sadd.s32 s4, s21  }
0x11: {  	[tilespmem:s23], [sflag:$0x3] =	stream.linear.gather [hbm4b:s22+s23], $0x640, $0x38;
	[tilespmem:$0xDAC0] =	vst v63  }
0x12: {  	_ =	swait.ge [sflag:s11], $0x640  }
0x13: {  	[sflag:s11] =	ssyncset.done $0x0  }
0x14: {  	s30 =	sadd.s32 s5, s21;
	[sflag:s11] =	ssyncadd.s32 $0xFFFFF9C0  }
0x15: {  	[tilespmem:s12], [sflag:$0x3] =	stream.linear.gather [hbm4b:s30+s23], $0x640, $0x38;
	[tilespmem:$0xDAC0] =	vst v63  }
0x16: {  	_ =	swait.ge [sflag:s11], $0x640  }
0x17: {  	[sflag:s11] =	ssyncset.done $0x0  }
0x18: {  	s31 =	sadd.s32 s6, s21;
	s21 =	simm.s32 $0xC80;
	[sflag:s11] =	ssyncadd.s32 $0xFFFFF9C0  }
0x19: {  	[tilespmem:s21], [sflag:$0x3] =	stream.linear.gather [hbm4b:s31+s23], $0x640, $0x38;
	[tilespmem:$0xDAC0] =	vst v63  }
0x1a: {  	_ =	swait.ge [sflag:s11], $0x640  }
0x1b: {  	[sflag:s11] =	ssyncset.done $0x0  }
0x1c: {  	[sflag:s11] =	ssyncadd.s32 $0xFFFFF9C0  }
0x1d: {  	[tilespmem:s13], [sflag:$0x1] =	stream.indirect.gather [hbm4b:s3+s12], $0x10, s23, s12, $0xb8;
	[tilespmem:$0xDAC0] =	vst v63  }
0x1e: {  	_ = 	snop  }
0x1f: {  	[tilespmem:s14], [sflag:$0x2] =	stream.indirect.gather [hbm4b:s3+s12], $0x10, s12, s12, $0xb8;
	[tilespmem:$0xDAC0] =	vst v63  }
0x20: {  	_ =	swait.ge [sflag:s15], $0x6400  }
0x21: {  	[sflag:s15] =	ssyncset.done $0x0  }
0x22: {  	[sflag:s15] =	ssyncadd.s32 $0xFFFF9C00  }
0x23: {  	v1 =	vmov s23;
	_ =	swait.ge [sflag:s16], $0x6400  }
0x24: {  	v1 =	vshll.u32 v1, $0x4;
	[sflag:s16] =	ssyncset.done $0x0  }
0x25: {  	v2 =	vor.u32 v0, v1;
	[sflag:s16] =	ssyncadd.s32 $0xFFFF9C00  }
0x26: {  	v2 =	vor.u32 $0xA, v2;
	s22 =	simm.s32 $0x10;
	v1 =	vld [tilespmem:s21+$0x0]  }
.LBB2_3:
0x27: {  	p0 =	sne.s32 s22, $0x630  }
.Ltmp0:
0x28: {  	_ = 	snop;
	(pc) =	sbr.rel @p0 .LBB2_3-.Ltmp0, $4  }
0x29: {  	v3 =	vmov s22  }
0x2a: {  	v3 =	vshll.u32 v3, $0x4  }
0x2b: {  	s21 =	sadd.s32 $0x10, s21;
	v3 =	vor.u32 v0, v3;
	[tilespmem:v2+s13+$0x0] =	vst.idx.msk $0xffff, v1  }
0x2c: {  	s22 =	sadd.s32 $0x10, s22;
	v2 =	vor.u32 $0xA, v3;
	v1 =	vld [tilespmem:s21+$0x0]  }
0x2d: {  	_ =	sdelay $0x2  }
0x2e: {  	s20 =	sshll.u32 s20, $0x2  }
0x2f: {  	s21 =	sadd.s32 s7, s20;
	[tilespmem:v2+s13+$0x0] =	vst.idx.msk $0xffff, v1  }
0x30: {  	[hbm4b:s21+s17] =	stream.strided.scatter [tilespmem:s13], [sflag:$0x3], $0x6400, s18, s17, $0x38;
	[tilespmem:$0xDAC0] =	vst v63  }
0x31: {  	s19 =	sadd.s32 $0x1, s19;
	_ =	swait.ge [sflag:s11], $0x6400  }
0x32: {  	p0 =	sne.s32 s19, $0x8;
	[sflag:s11] =	ssyncset.done $0x0  }
.Ltmp1:
0x33: {  	s20 =	sadd.s32 s20, s9;
	[sflag:s11] =	ssyncadd.s32 $0xFFFF9C00;
	(pc) =	sbr.rel @p0 .LBB2_2-.Ltmp1, $4  }
0x34: {  	[hbm4b:s20+s17] =	stream.strided.scatter [tilespmem:s14], [sflag:$0x3], $0x6400, s18, s17, $0x38;
	[tilespmem:$0xDAC0] =	vst v63  }
0x35: {  	_ =	swait.ge [sflag:s11], $0x6400  }
0x36: {  	[sflag:s11] =	ssyncset.done $0x0  }
0x37: {  	[sflag:s11] =	ssyncadd.s32 $0xFFFF9C00  }
0x38: {  	s1 =	sadd.s32 $0x1, s1  }
0x39: {  	p0 =	sne.s32 s1, s10  }
.Ltmp2:
0x3a: {  	_ = 	snop;
	(pc) =	sbr.rel @p0 .LBB2_1-.Ltmp2, $1  }
0x3b: {  	_ =	sdelay $0x3  }
0x3c: {  	_ =	sfence.sel $0x180000  }
0x3d: {  	[bflag:$0x0] =	sbarrier.arrive $0xFFFF  }
0x3e: {  	p0 =	sne.s32 s2, $0x0;
	_ =	strace $0x90000047  }
0x3f: {  	s0 =	sadd.s32 @!p0 $0x100000, s0;
	[bflag:$0x2] =	sbarrier.arrive $0xFFFF  }
0x40: {  	[sflag:s0] =	ssyncadd.tile.s32 @!p0 $0x1;
	_ =	shalt  }
.Lfunc_end2:
_tile_overlayer_lowered:
.L_overlay_start_2:
0x41: {  	(tag) =	ssettag $0x2  }
0x42: {  	s0 =	rddreg [dreg:$0x0];
	s2 =	stileid.u32  }
0x43: {  	s1 =	rddreg [dreg:$0x1];
	p0 =	sne.s32 s2, $0x0  }
0x44: {  	s3 =	rddreg [dreg:$0x2];
	[bflag:$0x3] =	sbarrier.arrive $0xFFFF;
	s2 =	simm.s32 @!p0 $0x1C03  }
0x45: {  	[timem:s3], [sflag:s2] =	dma.local @!p0 [hbm:s0], s1  }
0x46: {  	s0 =	simm.s32 @!p0 $0x3  }
0x47: {  	_ =	swait.ge @!p0 [sflag:s0], s1  }
0x48: {  	s1 =	ssub.s32 @!p0 $0x0, s1;
	[sflag:s0] =	ssyncset.done @!p0 $0x0  }
0x49: {  	[sflag:s0] =	ssyncadd.s32 @!p0 s1  }
0x4a: {  	[bflag:$0x3] =	sbarrier.arrive $0xFFFF  }
0x4b: {  	_ =	shalt  }

// kernel: kernel.13.cloned.1.call-start
scs
__scs_entry_jumppad:
0x0: {  	(pc) =	sbr.rel $0x88, $3  }
0x1: {  	(tag) =	ssettag $0x0;
	lr =	simm.s32 $0x1  }
0x2: {  	[smem:$0x3F8C] =	sst lr;
	_ =	strace $0xD0000000  }
0x3: {  	_ = 	snop  }
0x4: {  	_ = 	snop  }
0x5: {  	_ = 	snop  }
0x6: {  	_ = 	snop  }
0x7: {  	_ = 	snop  }
__scs_overlays_trampoline_lowered:
0x8: {  	[smem:$0x3F9B] =	sst s0  }
0x9: {  	[smem:$0x3F9C] =	sst s1  }
0xa: {  	[smem:$0x3F9D] =	sst s2  }
0xb: {  	[smem:$0x3F9E] =	sst s3  }
0xc: {  	[smem:$0x3F9F] =	sst s4  }
0xd: {  	[smem:$0x3FA0] =	sst s5  }
0xe: {  	[smem:$0x3FA1] =	sst s6  }
0xf: {  	[smem:$0x3FA2] =	sst s7  }
0x10: {  	[smem:$0x3FA3] =	sst s8  }
0x11: {  	[smem:$0x3FA4] =	sst s9;
	s0 =	simm.s32 @!p0 $0x0  }
0x12: {  	s1 =	sld [smem:$0x3F8A];
	s0 =	simm.s32 @p0 $0x1  }
0x13: {  	[smem:$0x3FA5] =	sst s0;
	s0 =	simm.s32 @!p1 $0x0  }
0x14: {  	s2 =	sld [smem:$0x3F89];
	s0 =	simm.s32 @p1 $0x1  }
0x15: {  	[smem:$0x3FA6] =	sst s0;
	s0 =	simm.s32 @!p2 $0x0  }
0x16: {  	s3 =	sld [smem:$0x3FDB];
	s0 =	simm.s32 @p2 $0x1  }
0x17: {  	s4 =	simm.s32 $0x1BF5;
	[smem:$0x3FA8] =	sst s0  }
0x18: {  	s0 =	sld [smem:$0x3F8B];
	_ =	swait.ge [sflag:s4], $0x0  }
0x19: {  	s7 =	sld [smem:$0x3F8C]  }
0x1a: {  	s8 =	sadd.s32 $0xFFFFE003, lr  }
0x1b: {  	s9 =	sadd.s32 $0xFFFFFEF7, lr;
	s5 =	simm.s32 $0xFFFFFFFF;
	p2 =	slt.u32 s8, $0xFFFFF086  }
0x1c: {  	p1 =	slt.u32 s9, $0xF7A;
	s5 =	simm.s32 @!p2 $0x0  }
0x1d: {  	s5 =	simm.s32 @p1 $0x1;
	p0 =	seq.s32 s7, s2  }
0x1e: {  	s7 =	smul.u32 @!p0 $0xF7A, s2;
	p2 =	seq.s32 @!p0 s5, $0x0  }
0x1f: {  	s9 =	smul.u32 $0xF7A, s1;
	s8 =	simm.s32 @!p0 $0x1BF5;
	p2 =	por !p2, p0  }
0x20: {  	[sflag:s8] =	ssyncset.s32 @!p0 $0xFFFFF086;
	s6 =	sadd.s32 @!p0 s3, s7;
	s7 =	simm.s32 @!p0 $0x108  }
0x21: {  	s3 =	sadd.s32 s3, s9;
	s6 =	sadd.s32 @!p0 $0x88, s6;
	s7 =	simm.s32 @p2 $0x1082  }
0x22: {  	[simem:s7], [sflag:s8] =	dma.local @!p0 [hbm:s6], $0xF7A  }
0x23: {  	s9 =	sor.u32 $0xD0000000, s2;
	s6 =	simm.s32 $0x108;
	_ =	swait.ge @!p0 [sflag:s8], $0x0  }
0x24: {  	s3 =	sadd.s32 $0x88, s3;
	s6 =	simm.s32 @!p1 $0x1082;
	[sflag:s4] =	ssyncset.s32 $0xFFFFF086  }
0x25: {  	[simem:s6], [sflag:s4] =	dma.local [hbm:s3], $0xF7A  }
0x26: {  	[smem:$0x3F8C] =	sst s1;
	(tag) =	ssettag s2;
	_ =	strace s9  }
0x27: {  	s1 =	sld [smem:$0x3F9C]  }
0x28: {  	s2 =	sld [smem:$0x3F9D]  }
0x29: {  	s4 =	sld [smem:$0x3F9F]  }
0x2a: {  	p0 =	seq.s32 s5, $0x0;
	s5 =	sld [smem:$0x3FA0]  }
0x2b: {  	s6 =	sld [smem:$0x3FA1]  }
0x2c: {  	s7 =	sld [smem:$0x3FA2]  }
0x2d: {  	s3 =	simm.s32 $0x108;
	s8 =	sld [smem:$0x3FA3]  }
0x2e: {  	s3 =	simm.s32 @!p0 $0x1082;
	s9 =	sld [smem:$0x3FA4]  }
0x2f: {  	lr =	sadd.s32 s0, s3;
	s0 =	sld [smem:$0x3F9B]  }
0x30: {  	s3 =	sld [smem:$0x3F9E]  }
0x31: {  	[smem:$0x3FA7] =	sst s10  }
0x32: {  	s10 =	sld [smem:$0x3FA5];
	_ =	sdelay $0x3  }
0x33: {  	p0 =	seq.s32 s10, $0x1;
	s10 =	sld [smem:$0x3FA7];
	_ =	sdelay $0x3  }
0x34: {  	[smem:$0x3FA7] =	sst s10  }
0x35: {  	s10 =	sld [smem:$0x3FA6];
	_ =	sdelay $0x3  }
0x36: {  	p1 =	seq.s32 s10, $0x1;
	s10 =	sld [smem:$0x3FA7];
	_ =	sdelay $0x3  }
0x37: {  	[smem:$0x3FA7] =	sst s10  }
0x38: {  	s10 =	sld [smem:$0x3FA8]  }
0x39: {  	_ = 	snop;
	(pc) =	sbr.ind lr, $3  }
0x3a: {  	_ = 	snop  }
0x3b: {  	_ = 	snop  }
0x3c: {  	p2 =	seq.s32 s10, $0x1;
	s10 =	sld [smem:$0x3FA7]  }
0x3d: {  	_ =	shalt  }
0x3e: {  	_ =	shalt  }
0x3f: {  	_ =	shalt  }
0x40: {  	_ =	shalt  }
0x41: {  	_ =	shalt  }
0x42: {  	_ =	shalt  }
0x43: {  	_ =	shalt  }
0x44: {  	_ =	shalt  }
0x45: {  	_ =	shalt  }
0x46: {  	_ =	shalt  }
0x47: {  	_ =	shalt  }
0x48: {  	_ =	shalt  }
0x49: {  	_ =	shalt  }
0x4a: {  	_ =	shalt  }
0x4b: {  	_ =	shalt  }
0x4c: {  	_ =	shalt  }
0x4d: {  	_ =	shalt  }
0x4e: {  	_ =	shalt  }
0x4f: {  	_ =	shalt  }
0x50: {  	_ =	shalt  }
0x51: {  	_ =	shalt  }
0x52: {  	_ =	shalt  }
0x53: {  	_ =	shalt  }
0x54: {  	_ =	shalt  }
0x55: {  	_ =	shalt  }
0x56: {  	_ =	shalt  }
0x57: {  	_ =	shalt  }
0x58: {  	_ =	shalt  }
0x59: {  	_ =	shalt  }
0x5a: {  	_ =	shalt  }
0x5b: {  	_ =	shalt  }
0x5c: {  	_ =	shalt  }
0x5d: {  	_ =	shalt  }
0x5e: {  	_ =	shalt  }
0x5f: {  	_ =	shalt  }
0x60: {  	_ =	shalt  }
0x61: {  	_ =	shalt  }
0x62: {  	_ =	shalt  }
0x63: {  	_ =	shalt  }
0x64: {  	_ =	shalt  }
0x65: {  	_ =	shalt  }
0x66: {  	_ =	shalt  }
0x67: {  	_ =	shalt  }
0x68: {  	_ =	shalt  }
0x69: {  	_ =	shalt  }
0x6a: {  	_ =	shalt  }
0x6b: {  	_ =	shalt  }
0x6c: {  	_ =	shalt  }
0x6d: {  	_ =	shalt  }
0x6e: {  	_ =	shalt  }
0x6f: {  	_ =	shalt  }
0x70: {  	_ =	shalt  }
0x71: {  	_ =	shalt  }
0x72: {  	_ =	shalt  }
0x73: {  	_ =	shalt  }
0x74: {  	_ =	shalt  }
0x75: {  	_ =	shalt  }
0x76: {  	_ =	shalt  }
0x77: {  	_ =	shalt  }
0x78: {  	_ =	shalt  }
0x79: {  	_ =	shalt  }
0x7a: {  	_ =	shalt  }
0x7b: {  	_ =	shalt  }
0x7c: {  	_ =	shalt  }
0x7d: {  	_ =	shalt  }
0x7e: {  	_ =	shalt  }
0x7f: {  	_ =	shalt  }
0x80: {  	_ =	shalt  }
0x81: {  	_ =	shalt  }
0x82: {  	_ =	shalt  }
0x83: {  	_ =	shalt  }
0x84: {  	_ =	shalt  }
0x85: {  	_ =	shalt  }
0x86: {  	_ =	shalt  }
0x87: {  	_ =	shalt  }
.Lfunc_end0:
.L_simem_size_0:
called_computation.1_lowered:
.L_overlay_start_0:
0x88: {  	s2 =	sld [smem:$0x3FD9]  }
0x89: {  	s3 =	sld [smem:$0x3FFE];
	_ =	sdelay $0x1  }
0x8a: {  	s1 =	srdreg.scid  }
0x8b: {  	s0 =	sand.u32 $0x1, s1  }
0x8c: {  	s17 =	sshll.u32 s0, $0xA;
	s2 =	sadd.s32 s3, s2  }
0x8d: {  	s2 =	sadd.s32 s2, s17  }
0x8e: {  	[smem:$0x3FB3] =	sst s2  }
0x8f: {  	_ = 	snop  }
0x90: {  	(tm) =	ssettm $0x1  }
0x91: {  	s18 =	sld [smem:$0x3FFB];
	_ =	sdelay $0x3  }
0x92: {  	_ =	strace s18  }
0x93: {  	s2 =	sld [smem:$0x3FFC];
	_ =	sdelay $0x3  }
0x94: {  	_ =	strace s2  }
0x95: {  	s2 =	sld [smem:$0x3FFD];
	_ =	sdelay $0x3  }
0x96: {  	_ =	strace s2  }
0x97: {  	_ =	strace $0x8FFFFFFF  }
0x98: {  	s19 =	sld [smem:$0x3FDB];
	_ =	sdelay $0x1  }
0x99: {  	s20 =	simm.s32 $_scs_section_size  }
0x9a: {  	s4 =	simm.s32 $_size__tile_overlayer_lowered;
	s5 =	simm.s32 $_tile_overlayer_lowered  }
0x9b: {  	s6 =	simm.s32 $0x1BFF;
	s21 =	sshll.u32 s5, $0x1;
	s3 =	sadd.s32 s20, s19  }
0x9c: {  	s22 =	simm.s32 $0x0;
	s4 =	sshll.u32 s4, $0x1;
	s5 =	sadd.s32 s21, s3  }
0x9d: {  	[timem:s22], [sflag:s6] =	dma.local [hbm:s5], s4  }
0x9e: {  	_ =	swait.ge [sflag:s6], s4  }
0x9f: {  	s4 =	ssub.s32 $0x0, s4;
	[sflag:s6] =	ssyncset.done $0x0  }
0xa0: {  	[sflag:s6] =	ssyncadd.s32 s4;
	_ =	sdelay $0x1  }
0xa1: {  	s23 =	simm.s32 $0x1B8B  }
0xa2: {  	_ =	swait.ge [sflag:s23], $0x1  }
0xa3: {  	[sflag:s23] =	ssyncset.done $0x0  }
0xa4: {  	[sflag:s23] =	ssyncadd.s32 $0xFFFFFFFF  }
0xa5: {  	s4 =	sld [smem:$0x0]  }
0xa6: {  	s5 =	sand.u32 $0xFFFFFFFE, s1  }
0xa7: {  	p0 =	sne.s32 s1, s5  }
0xa8: {  	s5 =	sshll.u32 @p0 s5, $0xE  }
0xa9: {  	s5 =	sadd.s32 @p0 $0x11B8D, s5;
	s6 =	sshll.u32 @p0 s4, $0x11  }
0xaa: {  	s5 =	sor.u32 @p0 s6, s5  }
0xab: {  	[sflag:s5] =	ssyncadd.remote.s32 @p0 $0x1;
	_ =	sdelay $0x1  }
0xac: {  	s5 =	simm.s32 @p0 $0x1B8D  }
0xad: {  	_ =	swait.eq @p0 [sflag:s5], $0x1  }
0xae: {  	[sflag:s5] =	ssyncadd.s32 @p0 $0xFFFFFFFF  }
0xaf: {  	s6 =	sshll.u32 @!p0 s1, $0xE  }
0xb0: {  	s6 =	sor.u32 @!p0 $0x4000, s6;
	s5 =	simm.s32 @!p0 $0x1B8D  }
0xb1: {  	s4 =	sshll.u32 @!p0 s4, $0x11;
	s6 =	sadd.s32 @!p0 $0x11B8D, s6;
	_ =	swait.eq @!p0 [sflag:s5], $0x1  }
0xb2: {  	s4 =	sor.u32 @!p0 s4, s6;
	[sflag:s5] =	ssyncadd.s32 @!p0 $0xFFFFFFFF  }
0xb3: {  	s25 =	simm.s32 $0x1B8E;
	s24 =	sld [smem:$0x3FFE];
	[sflag:s4] =	ssyncadd.remote.s32 @!p0 $0x1  }
0xb4: {  	s26 =	simm.s32 $execute0_lowered;
	[smem:$0x3FD2] =	sst s25  }
0xb5: {  	s5 =	sshll.u32 s26, $0x1;
	_ =	strace $0x80000049;
	[dreg:$0x1] =	wrdreg $0xFFFFFFFF  }
0xb6: {  	s28 =	simm.s32 $_size_execute0_lowered;
	s3 =	sadd.s32 s3, s5;
	[dreg:$0x0] =	wrdreg $0x0  }
0xb7: {  	s5 =	sshll.u32 s28, $0x1;
	[dreg:$0x2] =	wrdreg s3  }
0xb8: {  	[dreg:$0x3] =	wrdreg s5  }
0xb9: {  	[dreg:$0x4] =	wrdreg $0xC0  }
0xba: {  	_ =	task [dreg:s22], $0x5FFFF  }
0xbb: {  	[dreg:$0x1] =	wrdreg $0xFFFFFFFF  }
0xbc: {  	[dreg:$0x0] =	wrdreg $0x60  }
0xbd: {  	[dreg:$0x2] =	wrdreg s24  }
0xbe: {  	[dreg:$0x3] =	wrdreg $0x9  }
0xbf: {  	_ =	task.clear_ibuf [dreg:s22], $0x4FFFF;
	_ =	strace $0x90000049  }
0xc0: {  	s29 =	simm.s32 $0x9;
	_ =	strace $0x8000004B  }
0xc1: {  	_ =	swait.ge [sflag:s29], $0x1  }
0xc2: {  	[sflag:s29] =	ssyncadd.s32 $0xFFFFFFFF  }
0xc3: {  	_ =	strace $0x9000004B  }
0xc4: {  	_ =	sfence  }
0xc5: {  	s30 =	sld [smem:$0x0];
	_ =	sdelay $0x2  }
0xc6: {  	s31 =	sshll.u32 s1, $0xD;
	s1 =	sshrl.u32 s1, $0x2  }
0xc7: {  	s4 =	sand.u32 $0x4000, s31;
	s1 =	sadd.s32 s1, s30  }
0xc8: {  	s0 =	sor.u32 s4, s0;
	s1 =	sshll.u32 s1, $0x11  }
0xc9: {  	s0 =	sor.u32 s1, s0  }
0xca: {  	s0 =	sadd.s32 $0x8F2B, s0  }
0xcb: {  	[sflag:s0] =	ssyncadd.remote.s32 $0x1  }
0xcc: {  	_ =	sfence.sel $0xFFFF  }
0xcd: {  	[dreg:$0x0] =	wrdreg $0xFFFFFFFF;
	(pc) =	sbr.abs _section_cstart, $3  }
0xce: {  	[dreg:$0x1] =	wrdreg $0xFFFFFFFF  }
0xcf: {  	_ =	task.clear_ibuf [dreg:s22], $0x2FFFF;
	_ =	strace $0x9FFFFFFF  }
0xd0: {  	(tm) =	ssettm $0x7FFFFFFF  }
0xd1: {  	_ =	shalt  }
tec
execute0_lowered:
.L_overlay_start_1:
0x0: {  	(tag) =	ssettag $0x1  }
0x1: {  	s9 =	rddreg [dreg:$0x0]  }
0x2: {  	s0 =	rddreg [dreg:$0x1];
	s1 =	simm.s32 $0x0  }
0x3: {  	s6 =	srdreg.scid;
	s2 =	stileid.u32;
	s13 =	simm.s32 $0x12C0  }
0x4: {  	s14 =	simm.s32 $0x76C0;
	s15 =	simm.s32 $0x1;
	s16 =	simm.s32 $0x2  }
0x5: {  	s17 =	simm.s32 $0x10;
	s18 =	simm.s32 $0x20;
	s23 =	simm.s32 $0x0  }
0x6: {  	[smem:$0x7FF] =	sst s1;
	s3 =	sadd.s32 $0xCA400, s9;
	s4 =	sadd.s32 $0x2B1400, s9  }
0x7: {  	s5 =	sadd.s32 $0x2A4C00, s9;
	s8 =	sand.u32 $0x1, s6;
	s6 =	sadd.s32 $0x298400, s9  }
0x8: {  	s11 =	sshll.u32 s2, $0x1;
	s7 =	sadd.s32 $0x2BDC00, s9;
	s10 =	ssub.s32 $0x2, s8  }
0x9: {  	s9 =	sadd.s32 $0x2BDC02, s9;
	_ =	strace $0x8000004A;
	s12 =	sshrl.u32 s10, $0x1  }
0xa: {  	v0 =	vlaneseq.u32;
	s8 =	sor.u32 s8, s11;
	s11 =	simm.s32 $0x3;
	s10 =	ssub.s32 s10, s12  }
0xb: {  	v0 =	vmul.u32 $0x10, v0;
	s8 =	smul.u32 $0x3200, s8;
	s12 =	simm.s32 $0x640;
	s10 =	smax.u32 s10, $0x1  }
.LBB2_1:
0xc: {  	s19 =	simm.s32 $0x0  }
.LBB2_2:
0xd: {  	s20 =	smul.u32 $0x640, s19;
	_ =	sdelay $0x1  }
0xe: {  	s20 =	sadd.s32 s8, s20  }
0xf: {  	s21 =	sshrl.u32 s20, $0x3  }
0x10: {  	s22 =	sadd.s32 s4, s21  }
0x11: {  	[tilespmem:s23], [sflag:$0x3] =	stream.linear.gather [hbm4b:s22+s23], $0x640, $0x38;
	[tilespmem:$0xDAC0] =	vst v63  }
0x12: {  	_ =	swait.ge [sflag:s11], $0x640  }
0x13: {  	[sflag:s11] =	ssyncset.done $0x0  }
0x14: {  	s30 =	sadd.s32 s5, s21;
	[sflag:s11] =	ssyncadd.s32 $0xFFFFF9C0  }
0x15: {  	[tilespmem:s12], [sflag:$0x3] =	stream.linear.gather [hbm4b:s30+s23], $0x640, $0x38;
	[tilespmem:$0xDAC0] =	vst v63  }
0x16: {  	_ =	swait.ge [sflag:s11], $0x640  }
0x17: {  	[sflag:s11] =	ssyncset.done $0x0  }
0x18: {  	s31 =	sadd.s32 s6, s21;
	s21 =	simm.s32 $0xC80;
	[sflag:s11] =	ssyncadd.s32 $0xFFFFF9C0  }
0x19: {  	[tilespmem:s21], [sflag:$0x3] =	stream.linear.gather [hbm4b:s31+s23], $0x640, $0x38;
	[tilespmem:$0xDAC0] =	vst v63  }
0x1a: {  	_ =	swait.ge [sflag:s11], $0x640  }
0x1b: {  	[sflag:s11] =	ssyncset.done $0x0  }
0x1c: {  	[sflag:s11] =	ssyncadd.s32 $0xFFFFF9C0  }
0x1d: {  	[tilespmem:s13], [sflag:$0x1] =	stream.indirect.gather [hbm4b:s3+s12], $0x10, s23, s12, $0xb8;
	[tilespmem:$0xDAC0] =	vst v63  }
0x1e: {  	_ = 	snop  }
0x1f: {  	[tilespmem:s14], [sflag:$0x2] =	stream.indirect.gather [hbm4b:s3+s12], $0x10, s12, s12, $0xb8;
	[tilespmem:$0xDAC0] =	vst v63  }
0x20: {  	_ =	swait.ge [sflag:s15], $0x6400  }
0x21: {  	[sflag:s15] =	ssyncset.done $0x0  }
0x22: {  	[sflag:s15] =	ssyncadd.s32 $0xFFFF9C00  }
0x23: {  	v1 =	vmov s23;
	_ =	swait.ge [sflag:s16], $0x6400  }
0x24: {  	v1 =	vshll.u32 v1, $0x4;
	[sflag:s16] =	ssyncset.done $0x0  }
0x25: {  	v2 =	vor.u32 v0, v1;
	[sflag:s16] =	ssyncadd.s32 $0xFFFF9C00  }
0x26: {  	v2 =	vor.u32 $0xA, v2;
	s22 =	simm.s32 $0x10;
	v1 =	vld [tilespmem:s21+$0x0]  }
.LBB2_3:
0x27: {  	p0 =	sne.s32 s22, $0x630  }
.Ltmp0:
0x28: {  	_ = 	snop;
	(pc) =	sbr.rel @p0 .LBB2_3-.Ltmp0, $4  }
0x29: {  	v3 =	vmov s22  }
0x2a: {  	v3 =	vshll.u32 v3, $0x4  }
0x2b: {  	s21 =	sadd.s32 $0x10, s21;
	v3 =	vor.u32 v0, v3;
	[tilespmem:v2+s13+$0x0] =	vst.idx.msk $0xffff, v1  }
0x2c: {  	s22 =	sadd.s32 $0x10, s22;
	v2 =	vor.u32 $0xA, v3;
	v1 =	vld [tilespmem:s21+$0x0]  }
0x2d: {  	_ =	sdelay $0x2  }
0x2e: {  	s20 =	sshll.u32 s20, $0x2  }
0x2f: {  	s21 =	sadd.s32 s7, s20;
	[tilespmem:v2+s13+$0x0] =	vst.idx.msk $0xffff, v1  }
0x30: {  	[hbm4b:s21+s17] =	stream.strided.scatter [tilespmem:s13], [sflag:$0x3], $0x6400, s18, s17, $0x38;
	[tilespmem:$0xDAC0] =	vst v63  }
0x31: {  	s19 =	sadd.s32 $0x1, s19;
	_ =	swait.ge [sflag:s11], $0x6400  }
0x32: {  	p0 =	sne.s32 s19, $0x8;
	[sflag:s11] =	ssyncset.done $0x0  }
.Ltmp1:
0x33: {  	s20 =	sadd.s32 s20, s9;
	[sflag:s11] =	ssyncadd.s32 $0xFFFF9C00;
	(pc) =	sbr.rel @p0 .LBB2_2-.Ltmp1, $4  }
0x34: {  	[hbm4b:s20+s17] =	stream.strided.scatter [tilespmem:s14], [sflag:$0x3], $0x6400, s18, s17, $0x38;
	[tilespmem:$0xDAC0] =	vst v63  }
0x35: {  	_ =	swait.ge [sflag:s11], $0x6400  }
0x36: {  	[sflag:s11] =	ssyncset.done $0x0  }
0x37: {  	[sflag:s11] =	ssyncadd.s32 $0xFFFF9C00  }
0x38: {  	s1 =	sadd.s32 $0x1, s1  }
0x39: {  	p0 =	sne.s32 s1, s10  }
.Ltmp2:
0x3a: {  	_ = 	snop;
	(pc) =	sbr.rel @p0 .LBB2_1-.Ltmp2, $1  }
0x3b: {  	_ =	sdelay $0x3  }
0x3c: {  	_ =	sfence.sel $0x180000  }
0x3d: {  	[bflag:$0x0] =	sbarrier.arrive $0xFFFF  }
0x3e: {  	p0 =	sne.s32 s2, $0x0;
	_ =	strace $0x9000004A  }
0x3f: {  	s0 =	sadd.s32 @!p0 $0x100000, s0;
	[bflag:$0x2] =	sbarrier.arrive $0xFFFF  }
0x40: {  	[sflag:s0] =	ssyncadd.tile.s32 @!p0 $0x1;
	_ =	shalt  }
.Lfunc_end2:
_tile_overlayer_lowered:
.L_overlay_start_2:
0x41: {  	(tag) =	ssettag $0x2  }
0x42: {  	s0 =	rddreg [dreg:$0x0];
	s2 =	stileid.u32  }
0x43: {  	s1 =	rddreg [dreg:$0x1];
	p0 =	sne.s32 s2, $0x0  }
0x44: {  	s3 =	rddreg [dreg:$0x2];
	[bflag:$0x3] =	sbarrier.arrive $0xFFFF;
	s2 =	simm.s32 @!p0 $0x1C03  }
0x45: {  	[timem:s3], [sflag:s2] =	dma.local @!p0 [hbm:s0], s1  }
0x46: {  	s0 =	simm.s32 @!p0 $0x3  }
0x47: {  	_ =	swait.ge @!p0 [sflag:s0], s1  }
0x48: {  	s1 =	ssub.s32 @!p0 $0x0, s1;
	[sflag:s0] =	ssyncset.done @!p0 $0x0  }
0x49: {  	[sflag:s0] =	ssyncadd.s32 @!p0 s1  }
0x4a: {  	[bflag:$0x3] =	sbarrier.arrive $0xFFFF  }
0x4b: {  	_ =	shalt  }

// kernel: kernel.16.cloned.1.call-start
scs
__scs_entry_jumppad:
0x0: {  	(pc) =	sbr.rel $0x88, $3  }
0x1: {  	(tag) =	ssettag $0x0;
	lr =	simm.s32 $0x1  }
0x2: {  	[smem:$0x3F8C] =	sst lr;
	_ =	strace $0xD0000000  }
0x3: {  	_ = 	snop  }
0x4: {  	_ = 	snop  }
0x5: {  	_ = 	snop  }
0x6: {  	_ = 	snop  }
0x7: {  	_ = 	snop  }
__scs_overlays_trampoline_lowered:
0x8: {  	[smem:$0x3F9B] =	sst s0  }
0x9: {  	[smem:$0x3F9C] =	sst s1  }
0xa: {  	[smem:$0x3F9D] =	sst s2  }
0xb: {  	[smem:$0x3F9E] =	sst s3  }
0xc: {  	[smem:$0x3F9F] =	sst s4  }
0xd: {  	[smem:$0x3FA0] =	sst s5  }
0xe: {  	[smem:$0x3FA1] =	sst s6  }
0xf: {  	[smem:$0x3FA2] =	sst s7  }
0x10: {  	[smem:$0x3FA3] =	sst s8  }
0x11: {  	[smem:$0x3FA4] =	sst s9;
	s0 =	simm.s32 @!p0 $0x0  }
0x12: {  	s1 =	sld [smem:$0x3F8A];
	s0 =	simm.s32 @p0 $0x1  }
0x13: {  	[smem:$0x3FA5] =	sst s0;
	s0 =	simm.s32 @!p1 $0x0  }
0x14: {  	s2 =	sld [smem:$0x3F89];
	s0 =	simm.s32 @p1 $0x1  }
0x15: {  	[smem:$0x3FA6] =	sst s0;
	s0 =	simm.s32 @!p2 $0x0  }
0x16: {  	s3 =	sld [smem:$0x3FDB];
	s0 =	simm.s32 @p2 $0x1  }
0x17: {  	s4 =	simm.s32 $0x1BF5;
	[smem:$0x3FA8] =	sst s0  }
0x18: {  	s0 =	sld [smem:$0x3F8B];
	_ =	swait.ge [sflag:s4], $0x0  }
0x19: {  	s7 =	sld [smem:$0x3F8C]  }
0x1a: {  	s8 =	sadd.s32 $0xFFFFE003, lr  }
0x1b: {  	s9 =	sadd.s32 $0xFFFFFEF7, lr;
	s5 =	simm.s32 $0xFFFFFFFF;
	p2 =	slt.u32 s8, $0xFFFFF086  }
0x1c: {  	p1 =	slt.u32 s9, $0xF7A;
	s5 =	simm.s32 @!p2 $0x0  }
0x1d: {  	s5 =	simm.s32 @p1 $0x1;
	p0 =	seq.s32 s7, s2  }
0x1e: {  	s7 =	smul.u32 @!p0 $0xF7A, s2;
	p2 =	seq.s32 @!p0 s5, $0x0  }
0x1f: {  	s9 =	smul.u32 $0xF7A, s1;
	s8 =	simm.s32 @!p0 $0x1BF5;
	p2 =	por !p2, p0  }
0x20: {  	[sflag:s8] =	ssyncset.s32 @!p0 $0xFFFFF086;
	s6 =	sadd.s32 @!p0 s3, s7;
	s7 =	simm.s32 @!p0 $0x108  }
0x21: {  	s3 =	sadd.s32 s3, s9;
	s6 =	sadd.s32 @!p0 $0x88, s6;
	s7 =	simm.s32 @p2 $0x1082  }
0x22: {  	[simem:s7], [sflag:s8] =	dma.local @!p0 [hbm:s6], $0xF7A  }
0x23: {  	s9 =	sor.u32 $0xD0000000, s2;
	s6 =	simm.s32 $0x108;
	_ =	swait.ge @!p0 [sflag:s8], $0x0  }
0x24: {  	s3 =	sadd.s32 $0x88, s3;
	s6 =	simm.s32 @!p1 $0x1082;
	[sflag:s4] =	ssyncset.s32 $0xFFFFF086  }
0x25: {  	[simem:s6], [sflag:s4] =	dma.local [hbm:s3], $0xF7A  }
0x26: {  	[smem:$0x3F8C] =	sst s1;
	(tag) =	ssettag s2;
	_ =	strace s9  }
0x27: {  	s1 =	sld [smem:$0x3F9C]  }
0x28: {  	s2 =	sld [smem:$0x3F9D]  }
0x29: {  	s4 =	sld [smem:$0x3F9F]  }
0x2a: {  	p0 =	seq.s32 s5, $0x0;
	s5 =	sld [smem:$0x3FA0]  }
0x2b: {  	s6 =	sld [smem:$0x3FA1]  }
0x2c: {  	s7 =	sld [smem:$0x3FA2]  }
0x2d: {  	s3 =	simm.s32 $0x108;
	s8 =	sld [smem:$0x3FA3]  }
0x2e: {  	s3 =	simm.s32 @!p0 $0x1082;
	s9 =	sld [smem:$0x3FA4]  }
0x2f: {  	lr =	sadd.s32 s0, s3;
	s0 =	sld [smem:$0x3F9B]  }
0x30: {  	s3 =	sld [smem:$0x3F9E]  }
0x31: {  	[smem:$0x3FA7] =	sst s10  }
0x32: {  	s10 =	sld [smem:$0x3FA5];
	_ =	sdelay $0x3  }
0x33: {  	p0 =	seq.s32 s10, $0x1;
	s10 =	sld [smem:$0x3FA7];
	_ =	sdelay $0x3  }
0x34: {  	[smem:$0x3FA7] =	sst s10  }
0x35: {  	s10 =	sld [smem:$0x3FA6];
	_ =	sdelay $0x3  }
0x36: {  	p1 =	seq.s32 s10, $0x1;
	s10 =	sld [smem:$0x3FA7];
	_ =	sdelay $0x3  }
0x37: {  	[smem:$0x3FA7] =	sst s10  }
0x38: {  	s10 =	sld [smem:$0x3FA8]  }
0x39: {  	_ = 	snop;
	(pc) =	sbr.ind lr, $3  }
0x3a: {  	_ = 	snop  }
0x3b: {  	_ = 	snop  }
0x3c: {  	p2 =	seq.s32 s10, $0x1;
	s10 =	sld [smem:$0x3FA7]  }
0x3d: {  	_ =	shalt  }
0x3e: {  	_ =	shalt  }
0x3f: {  	_ =	shalt  }
0x40: {  	_ =	shalt  }
0x41: {  	_ =	shalt  }
0x42: {  	_ =	shalt  }
0x43: {  	_ =	shalt  }
0x44: {  	_ =	shalt  }
0x45: {  	_ =	shalt  }
0x46: {  	_ =	shalt  }
0x47: {  	_ =	shalt  }
0x48: {  	_ =	shalt  }
0x49: {  	_ =	shalt  }
0x4a: {  	_ =	shalt  }
0x4b: {  	_ =	shalt  }
0x4c: {  	_ =	shalt  }
0x4d: {  	_ =	shalt  }
0x4e: {  	_ =	shalt  }
0x4f: {  	_ =	shalt  }
0x50: {  	_ =	shalt  }
0x51: {  	_ =	shalt  }
0x52: {  	_ =	shalt  }
0x53: {  	_ =	shalt  }
0x54: {  	_ =	shalt  }
0x55: {  	_ =	shalt  }
0x56: {  	_ =	shalt  }
0x57: {  	_ =	shalt  }
0x58: {  	_ =	shalt  }
0x59: {  	_ =	shalt  }
0x5a: {  	_ =	shalt  }
0x5b: {  	_ =	shalt  }
0x5c: {  	_ =	shalt  }
0x5d: {  	_ =	shalt  }
0x5e: {  	_ =	shalt  }
0x5f: {  	_ =	shalt  }
0x60: {  	_ =	shalt  }
0x61: {  	_ =	shalt  }
0x62: {  	_ =	shalt  }
0x63: {  	_ =	shalt  }
0x64: {  	_ =	shalt  }
0x65: {  	_ =	shalt  }
0x66: {  	_ =	shalt  }
0x67: {  	_ =	shalt  }
0x68: {  	_ =	shalt  }
0x69: {  	_ =	shalt  }
0x6a: {  	_ =	shalt  }
0x6b: {  	_ =	shalt  }
0x6c: {  	_ =	shalt  }
0x6d: {  	_ =	shalt  }
0x6e: {  	_ =	shalt  }
0x6f: {  	_ =	shalt  }
0x70: {  	_ =	shalt  }
0x71: {  	_ =	shalt  }
0x72: {  	_ =	shalt  }
0x73: {  	_ =	shalt  }
0x74: {  	_ =	shalt  }
0x75: {  	_ =	shalt  }
0x76: {  	_ =	shalt  }
0x77: {  	_ =	shalt  }
0x78: {  	_ =	shalt  }
0x79: {  	_ =	shalt  }
0x7a: {  	_ =	shalt  }
0x7b: {  	_ =	shalt  }
0x7c: {  	_ =	shalt  }
0x7d: {  	_ =	shalt  }
0x7e: {  	_ =	shalt  }
0x7f: {  	_ =	shalt  }
0x80: {  	_ =	shalt  }
0x81: {  	_ =	shalt  }
0x82: {  	_ =	shalt  }
0x83: {  	_ =	shalt  }
0x84: {  	_ =	shalt  }
0x85: {  	_ =	shalt  }
0x86: {  	_ =	shalt  }
0x87: {  	_ =	shalt  }
.Lfunc_end0:
.L_simem_size_0:
called_computation.2_lowered:
.L_overlay_start_0:
0x88: {  	s2 =	sld [smem:$0x3FD9]  }
0x89: {  	s3 =	sld [smem:$0x3FFE];
	_ =	sdelay $0x1  }
0x8a: {  	s1 =	srdreg.scid  }
0x8b: {  	s0 =	sand.u32 $0x1, s1  }
0x8c: {  	s17 =	sshll.u32 s0, $0xA;
	s2 =	sadd.s32 s3, s2  }
0x8d: {  	s2 =	sadd.s32 s2, s17  }
0x8e: {  	[smem:$0x3FB3] =	sst s2  }
0x8f: {  	_ = 	snop  }
0x90: {  	s18 =	sld [smem:$0x3FD0];
	(tm) =	ssettm $0x1  }
0x91: {  	s19 =	sld [smem:$0x3FFB];
	_ =	sdelay $0x3  }
0x92: {  	_ =	strace s19  }
0x93: {  	s2 =	sld [smem:$0x3FFC];
	_ =	sdelay $0x3  }
0x94: {  	_ =	strace s2  }
0x95: {  	s2 =	sld [smem:$0x3FFD];
	_ =	sdelay $0x3  }
0x96: {  	_ =	strace s2  }
0x97: {  	_ =	strace $0x8FFFFFFF  }
0x98: {  	s20 =	sld [smem:$0x3FDB];
	_ =	sdelay $0x1  }
0x99: {  	s4 =	simm.s32 $_scs_section_size  }
0x9a: {  	s5 =	simm.s32 $_size__tile_overlayer_lowered;
	s6 =	simm.s32 $_tile_overlayer_lowered  }
0x9b: {  	s7 =	simm.s32 $0x1BFF;
	s21 =	sshll.u32 s6, $0x1;
	s4 =	sadd.s32 s4, s20  }
0x9c: {  	s22 =	simm.s32 $0x0;
	s5 =	sshll.u32 s5, $0x1;
	s6 =	sadd.s32 s21, s4  }
0x9d: {  	[timem:s22], [sflag:s7] =	dma.local [hbm:s6], s5  }
0x9e: {  	_ =	swait.ge [sflag:s7], s5  }
0x9f: {  	s5 =	ssub.s32 $0x0, s5;
	[sflag:s7] =	ssyncset.done $0x0  }
0xa0: {  	[sflag:s7] =	ssyncadd.s32 s5;
	_ =	sdelay $0x1  }
0xa1: {  	s23 =	simm.s32 $0x1B8B  }
0xa2: {  	_ =	swait.ge [sflag:s23], $0x1  }
0xa3: {  	[sflag:s23] =	ssyncset.done $0x0  }
0xa4: {  	[sflag:s23] =	ssyncadd.s32 $0xFFFFFFFF  }
0xa5: {  	s5 =	sld [smem:$0x0]  }
0xa6: {  	s6 =	sand.u32 $0xFFFFFFFE, s1  }
0xa7: {  	p0 =	sne.s32 s1, s6  }
0xa8: {  	s6 =	sshll.u32 @p0 s6, $0xE  }
0xa9: {  	s6 =	sadd.s32 @p0 $0x11B8D, s6;
	s7 =	sshll.u32 @p0 s5, $0x11  }
0xaa: {  	s6 =	sor.u32 @p0 s7, s6  }
0xab: {  	[sflag:s6] =	ssyncadd.remote.s32 @p0 $0x1;
	_ =	sdelay $0x1  }
0xac: {  	s6 =	simm.s32 @p0 $0x1B8D  }
0xad: {  	_ =	swait.eq @p0 [sflag:s6], $0x1  }
0xae: {  	[sflag:s6] =	ssyncadd.s32 @p0 $0xFFFFFFFF  }
0xaf: {  	s7 =	sshll.u32 @!p0 s1, $0xE  }
0xb0: {  	s7 =	sor.u32 @!p0 $0x4000, s7;
	s6 =	simm.s32 @!p0 $0x1B8D  }
0xb1: {  	s5 =	sshll.u32 @!p0 s5, $0x11;
	s7 =	sadd.s32 @!p0 $0x11B8D, s7;
	_ =	swait.eq @!p0 [sflag:s6], $0x1  }
0xb2: {  	s5 =	sor.u32 @!p0 s5, s7;
	[sflag:s6] =	ssyncadd.s32 @!p0 $0xFFFFFFFF  }
0xb3: {  	s25 =	simm.s32 $0x1B8E;
	s24 =	sld [smem:$0x3FFE];
	[sflag:s5] =	ssyncadd.remote.s32 @!p0 $0x1  }
0xb4: {  	s26 =	simm.s32 $execute0_lowered;
	[smem:$0x3FD2] =	sst s25  }
0xb5: {  	s6 =	sshll.u32 s26, $0x1;
	_ =	strace $0x8000004C;
	[dreg:$0x1] =	wrdreg $0xFFFFFFFF  }
0xb6: {  	s28 =	simm.s32 $_size_execute0_lowered;
	s4 =	sadd.s32 s4, s6;
	[dreg:$0x0] =	wrdreg $0x0  }
0xb7: {  	s6 =	sshll.u32 s28, $0x1;
	[dreg:$0x2] =	wrdreg s4  }
0xb8: {  	[dreg:$0x3] =	wrdreg s6  }
0xb9: {  	[dreg:$0x4] =	wrdreg $0xC0  }
0xba: {  	_ =	task [dreg:s22], $0x5FFFF  }
0xbb: {  	[dreg:$0x1] =	wrdreg $0xFFFFFFFF  }
0xbc: {  	[dreg:$0x0] =	wrdreg $0x60  }
0xbd: {  	[dreg:$0x2] =	wrdreg s24  }
0xbe: {  	[dreg:$0x3] =	wrdreg s18  }
0xbf: {  	[dreg:$0x4] =	wrdreg $0x70800  }
0xc0: {  	[dreg:$0x5] =	wrdreg $0x134800  }
0xc1: {  	[dreg:$0x6] =	wrdreg $0xA  }
0xc2: {  	_ =	task.clear_ibuf [dreg:s22], $0x7FFFF;
	_ =	strace $0x9000004C  }
0xc3: {  	s29 =	simm.s32 $0xA;
	_ =	strace $0x8000004E  }
0xc4: {  	_ =	swait.ge [sflag:s29], $0x1  }
0xc5: {  	[sflag:s29] =	ssyncadd.s32 $0xFFFFFFFF  }
0xc6: {  	_ =	strace $0x9000004E  }
0xc7: {  	_ =	sfence  }
0xc8: {  	s30 =	sld [smem:$0x0];
	_ =	sdelay $0x2  }
0xc9: {  	s31 =	sshll.u32 s1, $0xD;
	s1 =	sshrl.u32 s1, $0x2  }
0xca: {  	s4 =	sand.u32 $0x4000, s31;
	s1 =	sadd.s32 s1, s30  }
0xcb: {  	s0 =	sor.u32 s4, s0;
	s1 =	sshll.u32 s1, $0x11  }
0xcc: {  	s0 =	sor.u32 s1, s0  }
0xcd: {  	s0 =	sadd.s32 $0x8F2B, s0  }
0xce: {  	[sflag:s0] =	ssyncadd.remote.s32 $0x1  }
0xcf: {  	_ =	sfence.sel $0xFFFF  }
0xd0: {  	[dreg:$0x0] =	wrdreg $0xFFFFFFFF;
	(pc) =	sbr.abs _section_cstart, $3  }
0xd1: {  	[dreg:$0x1] =	wrdreg $0xFFFFFFFF  }
0xd2: {  	_ =	task.clear_ibuf [dreg:s22], $0x2FFFF;
	_ =	strace $0x9FFFFFFF  }
0xd3: {  	(tm) =	ssettm $0x7FFFFFFF  }
tec
execute0_lowered:
.L_overlay_start_1:
0x0: {  	(tag) =	ssettag $0x1  }
0x1: {  	s0 =	rddreg [dreg:$0x0]  }
0x2: {  	s1 =	rddreg [dreg:$0x1]  }
0x3: {  	s3 =	rddreg [dreg:$0x2]  }
0x4: {  	s4 =	rddreg [dreg:$0x3]  }
0x5: {  	s5 =	simm.s32 $0x0;
	s2 =	stileid.u32;
	s8 =	srdreg.scid  }
0x6: {  	s21 =	simm.s32 $0x40;
	[smem:$0x7FF] =	sst s5;
	s6 =	smul.u32 $0xC80, s2  }
0x7: {  	s15 =	sadd.s32 $0x44E800, s0;
	s9 =	smul.u32 $0xC40, s2;
	s7 =	sadd.s32 $0xE2E00, s0  }
0x8: {  	s16 =	sand.u32 $0x1, s8;
	s11 =	smul.u32 $0x31000, s2;
	s12 =	sadd.s32 $0xFBC00, s0  }
0x9: {  	s25 =	sshll.u32 s2, $0x6;
	s19 =	smul.u32 $0x190000, s2;
	_ =	strace $0x8000004D  }
0xa: {  	s10 =	ssub.s32 $0x2, s16;
	s17 =	sshll.u32 s16, $0x5;
	s8 =	sor.u32 $0x1C01, s25  }
0xb: {  	p0 =	sne.s32 s16, $0x0;
	s14 =	sadd.s32 s6, s0;
	s6 =	sadd.s32 $0xE2C00, s0  }
0xc: {  	s22 =	sshrl.u32 s9, $0x3;
	s23 =	sshrl.u32 s10, $0x1;
	s24 =	sshrl.u32 s11, $0x2  }
0xd: {  	s26 =	sor.u32 s17, s11;
	s20 =	sadd.s32 s9, s4;
	s17 =	sor.u32 s17, s19  }
0xe: {  	s19 =	simm.s32 $0x2;
	s0 =	sadd.s32 s22, s0;
	s13 =	ssub.s32 s10, s23  }
0xf: {  	s18 =	sadd.s32 s24, s3;
	s11 =	sshrl.u32 s26, $0x3;
	s28 =	sor.u32 $0x10, s26  }
0x10: {  	s30 =	sshrl.u32 s17, $0x3;
	s17 =	sor.u32 $0x10, s17;
	s14 =	sadd.s32 $0xEF400, s14  }
0x11: {  	s22 =	simm.s32 $0x640;
	s23 =	simm.s32 $0x8;
	s24 =	simm.s32 $0x0  }
0x12: {  	s9 =	sadd.s32 s12, s11;
	s10 =	sadd.s32 $0xE3000, s0;
	s29 =	sshrl.u32 s28, $0x3  }
0x13: {  	s31 =	sshrl.u32 s17, $0x3;
	s16 =	sshrl.u32 s18, $0x3;
	s17 =	simm.s32 $0x1  }
0x14: {  	s18 =	sshrl.u32 @!p0 s20, $0x3;
	s20 =	simm.s32 $0x10;
	s11 =	sadd.s32 s12, s29  }
0x15: {  	s12 =	smax.u32 s13, $0x1;
	s13 =	sadd.s32 s30, s15;
	s15 =	sadd.s32 s31, s15  }
.LBB2_1:
0x16: {  	[spmem:s16], [sflag:s8] =	dma.local [hbm:s1], $0x1880  }
0x17: {  	_ =	swait.ge [sflag:s17], $0x1880  }
0x18: {  	[sflag:s17] =	ssyncset.done $0x0  }
0x19: {  	s25 =	simm.s32 @!p0 $0x1;
	[sflag:s17] =	ssyncadd.s32 $0xFFFFE780  }
0x1a: {  	[spmem:s18], [sflag:s8] =	dma.local @!p0 [hbm:s6], $0x188  }
0x1b: {  	_ =	swait.ge @!p0 [sflag:s25], $0x188  }
0x1c: {  	[sflag:s25] =	ssyncset.done @!p0 $0x0  }
0x1d: {  	s26 =	simm.s32 @!p0 $0x0;
	s28 =	simm.s32 @!p0 $0x6A40;
	[sflag:s25] =	ssyncadd.s32 @!p0 $0xFFFFFE78  }
0x1e: {  	[tilespmem:s28], [sflag:$0x1] =	stream.linear.gather @!p0 [hbm4b:s7+s26], $0x640, $0x38;
	[tilespmem:$0x140C0] =	vst v63  }
0x1f: {  	_ =	swait.ge @!p0 [sflag:s25], $0x640  }
0x20: {  	[sflag:s25] =	ssyncset.done @!p0 $0x0  }
0x21: {  	[sflag:s25] =	ssyncadd.s32 @!p0 $0xFFFFF9C0  }
0x22: {  	s0 =	sadd.s32 $0x0, s14;
	[bflag:$0x0] =	sbarrier.arrive $0xFFFF  }
0x23: {  	[tilespmem:s5], [sflag:$0x2] =	stream.linear.gather [hbm4b:s0+s5], $0x640, $0x38;
	[tilespmem:$0x140C0] =	vst v63  }
0x24: {  	_ =	swait.ge [sflag:s19], $0x640  }
0x25: {  	[sflag:s19] =	ssyncset.done $0x0  }
0x26: {  	[sflag:s19] =	ssyncadd.s32 $0xFFFFF9C0  }
0x27: {  	[tilespmem:s22], [sflag:$0x2] =	stream.strided.gather [hbm4b:s13+s20], $0x6400, s21, s20, $0x38;
	[tilespmem:$0x140C0] =	vst v63  }
0x28: {  	_ =	swait.ge [sflag:s19], $0x6400  }
0x29: {  	[sflag:s19] =	ssyncset.done $0x0  }
0x2a: {  	[sflag:s19] =	ssyncadd.s32 $0xFFFF9C00  }
0x2b: {  	[spmem:s3] =	stream.indirect.scatter.add.f32 [tilespmem:s22], [sflag:$0x2], $0x10, s5, s22, $0xb8;
	[tilespmem:$0x140C0] =	vst v63  }
0x2c: {  	_ =	swait.ge [sflag:s19], $0x6400  }
0x2d: {  	[sflag:s19] =	ssyncset.done $0x0  }
0x2e: {  	s30 =	simm.s32 @!p0 $0x640;
	[sflag:s19] =	ssyncadd.s32 $0xFFFF9C00  }
0x2f: {  	[spmem:s4] =	stream.indirect.scatter.add.f32 @!p0 [tilespmem:s28], [sflag:$0x1], $0x1, s26, s30, $0xb8;
	[tilespmem:$0x140C0] =	vst v63  }
0x30: {  	s31 =	simm.s32 $0xC8;
	_ =	swait.ge @!p0 [sflag:s25], $0x640  }
0x31: {  	s29 =	sadd.s32 $0x3200, s13;
	s0 =	simm.s32 $0x190;
	[sflag:s25] =	ssyncset.done @!p0 $0x0  }
.LBB2_2:
0x32: {  	s2 =	sadd.s32 s31, s14  }
0x33: {  	[sflag:s25] =	ssyncadd.s32 @!p0 $0xFFFFF9C0;
	s31 =	smov.u32 s0;
	s0 =	sadd.s32 $0xC8, s0  }
0x34: {  	[tilespmem:s5], [sflag:$0x2] =	stream.linear.gather [hbm4b:s2+s5], $0x640, $0x38;
	[tilespmem:$0x140C0] =	vst v63  }
0x35: {  	p1 =	sne.s32 s0, $0xC80;
	_ =	swait.ge [sflag:s19], $0x640  }
0x36: {  	[sflag:s19] =	ssyncset.done $0x0  }
0x37: {  	[sflag:s19] =	ssyncadd.s32 $0xFFFFF9C0  }
0x38: {  	[tilespmem:s22], [sflag:$0x2] =	stream.strided.gather [hbm4b:s29+s20], $0x6400, s21, s20, $0x38;
	[tilespmem:$0x140C0] =	vst v63  }
0x39: {  	_ =	swait.ge [sflag:s19], $0x6400  }
0x3a: {  	[sflag:s19] =	ssyncset.done $0x0  }
0x3b: {  	[sflag:s19] =	ssyncadd.s32 $0xFFFF9C00  }
0x3c: {  	[spmem:s3] =	stream.indirect.scatter.add.f32 [tilespmem:s22], [sflag:$0x2], $0x10, s5, s22, $0xb8;
	[tilespmem:$0x140C0] =	vst v63  }
0x3d: {  	_ =	swait.ge [sflag:s19], $0x6400  }
.Ltmp0:
0x3e: {  	[sflag:s19] =	ssyncset.done $0x0;
	(pc) =	sbr.rel @p1 .LBB2_2-.Ltmp0, $4  }
0x3f: {  	[sflag:s19] =	ssyncadd.s32 $0xFFFF9C00  }
0x40: {  	[spmem:s4] =	stream.indirect.scatter.add.f32 @!p0 [tilespmem:s28], [sflag:$0x1], $0x1, s26, s30, $0xb8;
	[tilespmem:$0x140C0] =	vst v63  }
0x41: {  	_ =	swait.ge @!p0 [sflag:s25], $0x640  }
0x42: {  	s29 =	sadd.s32 $0x3200, s29;
	[sflag:s25] =	ssyncset.done @!p0 $0x0  }
0x43: {  	s0 =	sadd.s32 s31, s14;
	[sflag:s25] =	ssyncadd.s32 @!p0 $0xFFFFF9C0  }
0x44: {  	[tilespmem:s5], [sflag:$0x2] =	stream.linear.gather [hbm4b:s0+s5], $0x640, $0x38;
	[tilespmem:$0x140C0] =	vst v63  }
0x45: {  	_ =	swait.ge [sflag:s19], $0x640  }
0x46: {  	[sflag:s19] =	ssyncset.done $0x0  }
0x47: {  	[sflag:s19] =	ssyncadd.s32 $0xFFFFF9C0  }
0x48: {  	[tilespmem:s22], [sflag:$0x2] =	stream.strided.gather [hbm4b:s29+s20], $0x6400, s21, s20, $0x38;
	[tilespmem:$0x140C0] =	vst v63  }
0x49: {  	_ =	swait.ge [sflag:s19], $0x6400  }
0x4a: {  	[sflag:s19] =	ssyncset.done $0x0  }
0x4b: {  	[sflag:s19] =	ssyncadd.s32 $0xFFFF9C00  }
0x4c: {  	[spmem:s3] =	stream.indirect.scatter.add.f32 [tilespmem:s22], [sflag:$0x2], $0x10, s5, s22, $0xb8;
	[tilespmem:$0x140C0] =	vst v63  }
0x4d: {  	_ =	swait.ge [sflag:s19], $0x6400  }
0x4e: {  	[sflag:s19] =	ssyncset.done $0x0  }
0x4f: {  	s0 =	simm.s32 @!p0 $0x640;
	[sflag:s19] =	ssyncadd.s32 $0xFFFF9C00  }
0x50: {  	[spmem:s4] =	stream.indirect.scatter.add.f32 @!p0 [tilespmem:s28], [sflag:$0x1], $0x1, s26, s0, $0xb8;
	[tilespmem:$0x140C0] =	vst v63  }
0x51: {  	_ =	swait.ge @!p0 [sflag:s25], $0x640  }
0x52: {  	[sflag:s25] =	ssyncset.done @!p0 $0x0  }
0x53: {  	[sflag:s25] =	ssyncadd.s32 @!p0 $0xFFFFF9C0  }
0x54: {  	[bflag:$0x0] =	sbarrier.arrive $0xFFFF  }
0x55: {  	[hbm:s9@s23], [sflag:s8] =	dma.strided [spmem:s16@s19], $0x1880, s17, $0x2   }
0x56: {  	_ =	swait.ge [sflag:s17], $0x1880  }
0x57: {  	[sflag:s17] =	ssyncset.done $0x0  }
0x58: {  	s0 =	simm.s32 @!p0 $0x1;
	[sflag:s17] =	ssyncadd.s32 $0xFFFFE780  }
0x59: {  	[hbm:s10], [sflag:s8] =	dma.local @!p0 [spmem:s18], $0x188  }
0x5a: {  	_ =	swait.ge @!p0 [sflag:s0], $0x188  }
0x5b: {  	[sflag:s0] =	ssyncset.done @!p0 $0x0  }
0x5c: {  	[sflag:s0] =	ssyncadd.s32 @!p0 $0xFFFFFE78  }
0x5d: {  	[spmem:s16], [sflag:s8] =	dma.local [hbm:s1], $0x1880  }
0x5e: {  	_ =	swait.ge [sflag:s17], $0x1880  }
0x5f: {  	[sflag:s17] =	ssyncset.done $0x0  }
0x60: {  	[sflag:s17] =	ssyncadd.s32 $0xFFFFE780  }
0x61: {  	s31 =	sadd.s32 $0x0, s14;
	[bflag:$0x0] =	sbarrier.arrive $0xFFFF  }
0x62: {  	[tilespmem:s5], [sflag:$0x1] =	stream.linear.gather [hbm4b:s31+s5], $0x640, $0x38;
	[tilespmem:$0x140C0] =	vst v63  }
0x63: {  	_ =	swait.ge [sflag:s17], $0x640  }
0x64: {  	[sflag:s17] =	ssyncset.done $0x0  }
0x65: {  	[sflag:s17] =	ssyncadd.s32 $0xFFFFF9C0  }
0x66: {  	[tilespmem:s22], [sflag:$0x1] =	stream.strided.gather [hbm4b:s15+s20], $0x6400, s21, s20, $0x38;
	[tilespmem:$0x140C0] =	vst v63  }
0x67: {  	_ =	swait.ge [sflag:s17], $0x6400  }
0x68: {  	[sflag:s17] =	ssyncset.done $0x0  }
0x69: {  	[sflag:s17] =	ssyncadd.s32 $0xFFFF9C00  }
0x6a: {  	[spmem:s3] =	stream.indirect.scatter.add.f32 [tilespmem:s22], [sflag:$0x1], $0x10, s5, s22, $0xb8;
	[tilespmem:$0x140C0] =	vst v63  }
0x6b: {  	s26 =	simm.s32 $0x190;
	_ =	swait.ge [sflag:s17], $0x6400  }
0x6c: {  	s25 =	simm.s32 $0xC8;
	s0 =	sadd.s32 $0x3200, s15;
	[sflag:s17] =	ssyncset.done $0x0  }
.LBB2_4:
0x6d: {  	s2 =	sadd.s32 s25, s14  }
0x6e: {  	[sflag:s17] =	ssyncadd.s32 $0xFFFF9C00;
	s25 =	smov.u32 s26;
	s28 =	sadd.s32 $0xC8, s26  }
0x6f: {  	[tilespmem:s5], [sflag:$0x1] =	stream.linear.gather [hbm4b:s2+s5], $0x640, $0x38;
	[tilespmem:$0x140C0] =	vst v63  }
0x70: {  	p1 =	sne.s32 s26, $0xBB8;
	_ =	swait.ge [sflag:s17], $0x640  }
0x71: {  	[sflag:s17] =	ssyncset.done $0x0  }
0x72: {  	[sflag:s17] =	ssyncadd.s32 $0xFFFFF9C0  }
0x73: {  	[tilespmem:s22], [sflag:$0x1] =	stream.strided.gather [hbm4b:s0+s20], $0x6400, s21, s20, $0x38;
	[tilespmem:$0x140C0] =	vst v63  }
0x74: {  	_ =	swait.ge [sflag:s17], $0x6400  }
.Ltmp1:
0x75: {  	[sflag:s17] =	ssyncset.done $0x0;
	(pc) =	sbr.rel @p1 .LBB2_4-.Ltmp1, $4  }
0x76: {  	[sflag:s17] =	ssyncadd.s32 $0xFFFF9C00  }
0x77: {  	[spmem:s3] =	stream.indirect.scatter.add.f32 [tilespmem:s22], [sflag:$0x1], $0x10, s5, s22, $0xb8;
	[tilespmem:$0x140C0] =	vst v63  }
0x78: {  	_ =	swait.ge [sflag:s17], $0x6400  }
0x79: {  	s26 =	smov.u32 s28;
	s0 =	sadd.s32 $0x3200, s0;
	[sflag:s17] =	ssyncset.done $0x0  }
0x7a: {  	s2 =	sadd.s32 s25, s14;
	[sflag:s17] =	ssyncadd.s32 $0xFFFF9C00  }
0x7b: {  	[tilespmem:s5], [sflag:$0x1] =	stream.linear.gather [hbm4b:s2+s5], $0x640, $0x38;
	[tilespmem:$0x140C0] =	vst v63  }
0x7c: {  	_ =	swait.ge [sflag:s17], $0x640  }
0x7d: {  	[sflag:s17] =	ssyncset.done $0x0  }
0x7e: {  	[sflag:s17] =	ssyncadd.s32 $0xFFFFF9C0  }
0x7f: {  	[tilespmem:s22], [sflag:$0x1] =	stream.strided.gather [hbm4b:s0+s20], $0x6400, s21, s20, $0x38;
	[tilespmem:$0x140C0] =	vst v63  }
0x80: {  	_ =	swait.ge [sflag:s17], $0x6400  }
0x81: {  	[sflag:s17] =	ssyncset.done $0x0  }
0x82: {  	[sflag:s17] =	ssyncadd.s32 $0xFFFF9C00  }
0x83: {  	[spmem:s3] =	stream.indirect.scatter.add.f32 [tilespmem:s22], [sflag:$0x1], $0x10, s5, s22, $0xb8;
	[tilespmem:$0x140C0] =	vst v63  }
0x84: {  	_ =	swait.ge [sflag:s17], $0x6400  }
0x85: {  	s24 =	sadd.s32 $0x1, s24;
	[sflag:s17] =	ssyncset.done $0x0  }
0x86: {  	p1 =	sne.s32 s24, s12;
	[sflag:s17] =	ssyncadd.s32 $0xFFFF9C00  }
.Ltmp2:
0x87: {  	[bflag:$0x0] =	sbarrier.arrive $0xFFFF;
	(pc) =	sbr.rel @p1 .LBB2_1-.Ltmp2, $4  }
0x88: {  	[hbm:s11@s23], [sflag:s8] =	dma.strided [spmem:s16@s19], $0x1880, s17, $0x2   }
0x89: {  	_ =	swait.ge [sflag:s17], $0x1880  }
0x8a: {  	[sflag:s17] =	ssyncset.done $0x0  }
0x8b: {  	[sflag:s17] =	ssyncadd.s32 $0xFFFFE780  }
0x8c: {  	_ =	sfence.sel $0x180000  }
0x8d: {  	[bflag:$0x0] =	sbarrier.arrive $0xFFFF  }
0x8e: {  	_ =	strace $0x9000004D  }
0x8f: {  	s0 =	stileid.u32;
	[bflag:$0x2] =	sbarrier.arrive $0xFFFF  }
0x90: {  	p0 =	sne.s32 s0, $0x0;
	s0 =	rddreg [dreg:$0x4]  }
0x91: {  	s0 =	sadd.s32 @!p0 $0x100000, s0  }
0x92: {  	[sflag:s0] =	ssyncadd.tile.s32 @!p0 $0x1;
	_ =	shalt  }
.Lfunc_end2:
_tile_overlayer_lowered:
.L_overlay_start_2:
0x93: {  	(tag) =	ssettag $0x2  }
0x94: {  	s0 =	rddreg [dreg:$0x0];
	s2 =	stileid.u32  }
0x95: {  	s1 =	rddreg [dreg:$0x1];
	p0 =	sne.s32 s2, $0x0  }
0x96: {  	s3 =	rddreg [dreg:$0x2];
	[bflag:$0x3] =	sbarrier.arrive $0xFFFF;
	s2 =	simm.s32 @!p0 $0x1C01  }
0x97: {  	[timem:s3], [sflag:s2] =	dma.local @!p0 [hbm:s0], s1  }
0x98: {  	s0 =	simm.s32 @!p0 $0x1  }
0x99: {  	_ =	swait.ge @!p0 [sflag:s0], s1  }
0x9a: {  	s1 =	ssub.s32 @!p0 $0x0, s1;
	[sflag:s0] =	ssyncset.done @!p0 $0x0  }
0x9b: {  	[sflag:s0] =	ssyncadd.s32 @!p0 s1  }
0x9c: {  	[bflag:$0x3] =	sbarrier.arrive $0xFFFF  }
0x9d: {  	_ =	shalt  }

// kernel: kernel.19.cloned.1.call-start
scs
__scs_entry_jumppad:
0x0: {  	(pc) =	sbr.rel $0x88, $3  }
0x1: {  	(tag) =	ssettag $0x0;
	lr =	simm.s32 $0x1  }
0x2: {  	[smem:$0x3F8C] =	sst lr;
	_ =	strace $0xD0000000  }
0x3: {  	_ = 	snop  }
0x4: {  	_ = 	snop  }
0x5: {  	_ = 	snop  }
0x6: {  	_ = 	snop  }
0x7: {  	_ = 	snop  }
__scs_overlays_trampoline_lowered:
0x8: {  	[smem:$0x3F9B] =	sst s0  }
0x9: {  	[smem:$0x3F9C] =	sst s1  }
0xa: {  	[smem:$0x3F9D] =	sst s2  }
0xb: {  	[smem:$0x3F9E] =	sst s3  }
0xc: {  	[smem:$0x3F9F] =	sst s4  }
0xd: {  	[smem:$0x3FA0] =	sst s5  }
0xe: {  	[smem:$0x3FA1] =	sst s6  }
0xf: {  	[smem:$0x3FA2] =	sst s7  }
0x10: {  	[smem:$0x3FA3] =	sst s8  }
0x11: {  	[smem:$0x3FA4] =	sst s9;
	s0 =	simm.s32 @!p0 $0x0  }
0x12: {  	s1 =	sld [smem:$0x3F8A];
	s0 =	simm.s32 @p0 $0x1  }
0x13: {  	[smem:$0x3FA5] =	sst s0;
	s0 =	simm.s32 @!p1 $0x0  }
0x14: {  	s2 =	sld [smem:$0x3F89];
	s0 =	simm.s32 @p1 $0x1  }
0x15: {  	[smem:$0x3FA6] =	sst s0;
	s0 =	simm.s32 @!p2 $0x0  }
0x16: {  	s3 =	sld [smem:$0x3FDB];
	s0 =	simm.s32 @p2 $0x1  }
0x17: {  	s4 =	simm.s32 $0x1BF5;
	[smem:$0x3FA8] =	sst s0  }
0x18: {  	s0 =	sld [smem:$0x3F8B];
	_ =	swait.ge [sflag:s4], $0x0  }
0x19: {  	s7 =	sld [smem:$0x3F8C]  }
0x1a: {  	s8 =	sadd.s32 $0xFFFFE003, lr  }
0x1b: {  	s9 =	sadd.s32 $0xFFFFFEF7, lr;
	s5 =	simm.s32 $0xFFFFFFFF;
	p2 =	slt.u32 s8, $0xFFFFF086  }
0x1c: {  	p1 =	slt.u32 s9, $0xF7A;
	s5 =	simm.s32 @!p2 $0x0  }
0x1d: {  	s5 =	simm.s32 @p1 $0x1;
	p0 =	seq.s32 s7, s2  }
0x1e: {  	s7 =	smul.u32 @!p0 $0xF7A, s2;
	p2 =	seq.s32 @!p0 s5, $0x0  }
0x1f: {  	s9 =	smul.u32 $0xF7A, s1;
	s8 =	simm.s32 @!p0 $0x1BF5;
	p2 =	por !p2, p0  }
0x20: {  	[sflag:s8] =	ssyncset.s32 @!p0 $0xFFFFF086;
	s6 =	sadd.s32 @!p0 s3, s7;
	s7 =	simm.s32 @!p0 $0x108  }
0x21: {  	s3 =	sadd.s32 s3, s9;
	s6 =	sadd.s32 @!p0 $0x88, s6;
	s7 =	simm.s32 @p2 $0x1082  }
0x22: {  	[simem:s7], [sflag:s8] =	dma.local @!p0 [hbm:s6], $0xF7A  }
0x23: {  	s9 =	sor.u32 $0xD0000000, s2;
	s6 =	simm.s32 $0x108;
	_ =	swait.ge @!p0 [sflag:s8], $0x0  }
0x24: {  	s3 =	sadd.s32 $0x88, s3;
	s6 =	simm.s32 @!p1 $0x1082;
	[sflag:s4] =	ssyncset.s32 $0xFFFFF086  }
0x25: {  	[simem:s6], [sflag:s4] =	dma.local [hbm:s3], $0xF7A  }
0x26: {  	[smem:$0x3F8C] =	sst s1;
	(tag) =	ssettag s2;
	_ =	strace s9  }
0x27: {  	s1 =	sld [smem:$0x3F9C]  }
0x28: {  	s2 =	sld [smem:$0x3F9D]  }
0x29: {  	s4 =	sld [smem:$0x3F9F]  }
0x2a: {  	p0 =	seq.s32 s5, $0x0;
	s5 =	sld [smem:$0x3FA0]  }
0x2b: {  	s6 =	sld [smem:$0x3FA1]  }
0x2c: {  	s7 =	sld [smem:$0x3FA2]  }
0x2d: {  	s3 =	simm.s32 $0x108;
	s8 =	sld [smem:$0x3FA3]  }
0x2e: {  	s3 =	simm.s32 @!p0 $0x1082;
	s9 =	sld [smem:$0x3FA4]  }
0x2f: {  	lr =	sadd.s32 s0, s3;
	s0 =	sld [smem:$0x3F9B]  }
0x30: {  	s3 =	sld [smem:$0x3F9E]  }
0x31: {  	[smem:$0x3FA7] =	sst s10  }
0x32: {  	s10 =	sld [smem:$0x3FA5];
	_ =	sdelay $0x3  }
0x33: {  	p0 =	seq.s32 s10, $0x1;
	s10 =	sld [smem:$0x3FA7];
	_ =	sdelay $0x3  }
0x34: {  	[smem:$0x3FA7] =	sst s10  }
0x35: {  	s10 =	sld [smem:$0x3FA6];
	_ =	sdelay $0x3  }
0x36: {  	p1 =	seq.s32 s10, $0x1;
	s10 =	sld [smem:$0x3FA7];
	_ =	sdelay $0x3  }
0x37: {  	[smem:$0x3FA7] =	sst s10  }
0x38: {  	s10 =	sld [smem:$0x3FA8]  }
0x39: {  	_ = 	snop;
	(pc) =	sbr.ind lr, $3  }
0x3a: {  	_ = 	snop  }
0x3b: {  	_ = 	snop  }
0x3c: {  	p2 =	seq.s32 s10, $0x1;
	s10 =	sld [smem:$0x3FA7]  }
0x3d: {  	_ =	shalt  }
0x3e: {  	_ =	shalt  }
0x3f: {  	_ =	shalt  }
0x40: {  	_ =	shalt  }
0x41: {  	_ =	shalt  }
0x42: {  	_ =	shalt  }
0x43: {  	_ =	shalt  }
0x44: {  	_ =	shalt  }
0x45: {  	_ =	shalt  }
0x46: {  	_ =	shalt  }
0x47: {  	_ =	shalt  }
0x48: {  	_ =	shalt  }
0x49: {  	_ =	shalt  }
0x4a: {  	_ =	shalt  }
0x4b: {  	_ =	shalt  }
0x4c: {  	_ =	shalt  }
0x4d: {  	_ =	shalt  }
0x4e: {  	_ =	shalt  }
0x4f: {  	_ =	shalt  }
0x50: {  	_ =	shalt  }
0x51: {  	_ =	shalt  }
0x52: {  	_ =	shalt  }
0x53: {  	_ =	shalt  }
0x54: {  	_ =	shalt  }
0x55: {  	_ =	shalt  }
0x56: {  	_ =	shalt  }
0x57: {  	_ =	shalt  }
0x58: {  	_ =	shalt  }
0x59: {  	_ =	shalt  }
0x5a: {  	_ =	shalt  }
0x5b: {  	_ =	shalt  }
0x5c: {  	_ =	shalt  }
0x5d: {  	_ =	shalt  }
0x5e: {  	_ =	shalt  }
0x5f: {  	_ =	shalt  }
0x60: {  	_ =	shalt  }
0x61: {  	_ =	shalt  }
0x62: {  	_ =	shalt  }
0x63: {  	_ =	shalt  }
0x64: {  	_ =	shalt  }
0x65: {  	_ =	shalt  }
0x66: {  	_ =	shalt  }
0x67: {  	_ =	shalt  }
0x68: {  	_ =	shalt  }
0x69: {  	_ =	shalt  }
0x6a: {  	_ =	shalt  }
0x6b: {  	_ =	shalt  }
0x6c: {  	_ =	shalt  }
0x6d: {  	_ =	shalt  }
0x6e: {  	_ =	shalt  }
0x6f: {  	_ =	shalt  }
0x70: {  	_ =	shalt  }
0x71: {  	_ =	shalt  }
0x72: {  	_ =	shalt  }
0x73: {  	_ =	shalt  }
0x74: {  	_ =	shalt  }
0x75: {  	_ =	shalt  }
0x76: {  	_ =	shalt  }
0x77: {  	_ =	shalt  }
0x78: {  	_ =	shalt  }
0x79: {  	_ =	shalt  }
0x7a: {  	_ =	shalt  }
0x7b: {  	_ =	shalt  }
0x7c: {  	_ =	shalt  }
0x7d: {  	_ =	shalt  }
0x7e: {  	_ =	shalt  }
0x7f: {  	_ =	shalt  }
0x80: {  	_ =	shalt  }
0x81: {  	_ =	shalt  }
0x82: {  	_ =	shalt  }
0x83: {  	_ =	shalt  }
0x84: {  	_ =	shalt  }
0x85: {  	_ =	shalt  }
0x86: {  	_ =	shalt  }
0x87: {  	_ =	shalt  }
.Lfunc_end0:
.L_simem_size_0:
called_computation.3_lowered:
.L_overlay_start_0:
0x88: {  	s2 =	sld [smem:$0x3FD9]  }
0x89: {  	s3 =	sld [smem:$0x3FFE];
	_ =	sdelay $0x1  }
0x8a: {  	s1 =	srdreg.scid  }
0x8b: {  	s0 =	sand.u32 $0x1, s1  }
0x8c: {  	s17 =	sshll.u32 s0, $0xA;
	s2 =	sadd.s32 s3, s2  }
0x8d: {  	s2 =	sadd.s32 s2, s17  }
0x8e: {  	[smem:$0x3FB3] =	sst s2  }
0x8f: {  	_ = 	snop  }
0x90: {  	s18 =	sld [smem:$0x3FD0];
	(tm) =	ssettm $0x1  }
0x91: {  	s19 =	sld [smem:$0x3FFB];
	_ =	sdelay $0x3  }
0x92: {  	_ =	strace s19  }
0x93: {  	s2 =	sld [smem:$0x3FFC];
	_ =	sdelay $0x3  }
0x94: {  	_ =	strace s2  }
0x95: {  	s2 =	sld [smem:$0x3FFD];
	_ =	sdelay $0x3  }
0x96: {  	_ =	strace s2  }
0x97: {  	_ =	strace $0x8FFFFFFF  }
0x98: {  	s20 =	sld [smem:$0x3FDB];
	_ =	sdelay $0x1  }
0x99: {  	s4 =	simm.s32 $_scs_section_size  }
0x9a: {  	s5 =	simm.s32 $_size__tile_overlayer_lowered;
	s6 =	simm.s32 $_tile_overlayer_lowered  }
0x9b: {  	s7 =	simm.s32 $0x1BFF;
	s21 =	sshll.u32 s6, $0x1;
	s4 =	sadd.s32 s4, s20  }
0x9c: {  	s22 =	simm.s32 $0x0;
	s5 =	sshll.u32 s5, $0x1;
	s6 =	sadd.s32 s21, s4  }
0x9d: {  	[timem:s22], [sflag:s7] =	dma.local [hbm:s6], s5  }
0x9e: {  	_ =	swait.ge [sflag:s7], s5  }
0x9f: {  	s5 =	ssub.s32 $0x0, s5;
	[sflag:s7] =	ssyncset.done $0x0  }
0xa0: {  	[sflag:s7] =	ssyncadd.s32 s5;
	_ =	sdelay $0x1  }
0xa1: {  	s23 =	simm.s32 $0x1B8B  }
0xa2: {  	_ =	swait.ge [sflag:s23], $0x1  }
0xa3: {  	[sflag:s23] =	ssyncset.done $0x0  }
0xa4: {  	[sflag:s23] =	ssyncadd.s32 $0xFFFFFFFF  }
0xa5: {  	s5 =	sld [smem:$0x0]  }
0xa6: {  	s6 =	sand.u32 $0xFFFFFFFE, s1  }
0xa7: {  	p0 =	sne.s32 s1, s6  }
0xa8: {  	s6 =	sshll.u32 @p0 s6, $0xE  }
0xa9: {  	s6 =	sadd.s32 @p0 $0x11B8D, s6;
	s7 =	sshll.u32 @p0 s5, $0x11  }
0xaa: {  	s6 =	sor.u32 @p0 s7, s6  }
0xab: {  	[sflag:s6] =	ssyncadd.remote.s32 @p0 $0x1;
	_ =	sdelay $0x1  }
0xac: {  	s6 =	simm.s32 @p0 $0x1B8D  }
0xad: {  	_ =	swait.eq @p0 [sflag:s6], $0x1  }
0xae: {  	[sflag:s6] =	ssyncadd.s32 @p0 $0xFFFFFFFF  }
0xaf: {  	s7 =	sshll.u32 @!p0 s1, $0xE  }
0xb0: {  	s7 =	sor.u32 @!p0 $0x4000, s7;
	s6 =	simm.s32 @!p0 $0x1B8D  }
0xb1: {  	s5 =	sshll.u32 @!p0 s5, $0x11;
	s7 =	sadd.s32 @!p0 $0x11B8D, s7;
	_ =	swait.eq @!p0 [sflag:s6], $0x1  }
0xb2: {  	s5 =	sor.u32 @!p0 s5, s7;
	[sflag:s6] =	ssyncadd.s32 @!p0 $0xFFFFFFFF  }
0xb3: {  	s25 =	simm.s32 $0x1B8E;
	s24 =	sld [smem:$0x3FFE];
	[sflag:s5] =	ssyncadd.remote.s32 @!p0 $0x1  }
0xb4: {  	s26 =	simm.s32 $execute0_lowered;
	[smem:$0x3FD2] =	sst s25  }
0xb5: {  	s6 =	sshll.u32 s26, $0x1;
	_ =	strace $0x8000004F;
	[dreg:$0x1] =	wrdreg $0xFFFFFFFF  }
0xb6: {  	s28 =	simm.s32 $_size_execute0_lowered;
	s4 =	sadd.s32 s4, s6;
	[dreg:$0x0] =	wrdreg $0x0  }
0xb7: {  	s6 =	sshll.u32 s28, $0x1;
	[dreg:$0x2] =	wrdreg s4  }
0xb8: {  	[dreg:$0x3] =	wrdreg s6  }
0xb9: {  	[dreg:$0x4] =	wrdreg $0xC0  }
0xba: {  	_ =	task [dreg:s22], $0x5FFFF  }
0xbb: {  	[dreg:$0x1] =	wrdreg $0xFFFFFFFF  }
0xbc: {  	[dreg:$0x0] =	wrdreg $0x60  }
0xbd: {  	[dreg:$0x2] =	wrdreg s24  }
0xbe: {  	[dreg:$0x3] =	wrdreg s18  }
0xbf: {  	[dreg:$0x4] =	wrdreg $0x70800  }
0xc0: {  	[dreg:$0x5] =	wrdreg $0x134800  }
0xc1: {  	[dreg:$0x6] =	wrdreg $0x9  }
0xc2: {  	_ =	task.clear_ibuf [dreg:s22], $0x7FFFF;
	_ =	strace $0x9000004F  }
0xc3: {  	s29 =	simm.s32 $0x9;
	_ =	strace $0x80000051  }
0xc4: {  	_ =	swait.ge [sflag:s29], $0x1  }
0xc5: {  	[sflag:s29] =	ssyncadd.s32 $0xFFFFFFFF  }
0xc6: {  	_ =	strace $0x90000051  }
0xc7: {  	_ =	sfence  }
0xc8: {  	s30 =	sld [smem:$0x0];
	_ =	sdelay $0x2  }
0xc9: {  	s31 =	sshll.u32 s1, $0xD;
	s1 =	sshrl.u32 s1, $0x2  }
0xca: {  	s4 =	sand.u32 $0x4000, s31;
	s1 =	sadd.s32 s1, s30  }
0xcb: {  	s0 =	sor.u32 s4, s0;
	s1 =	sshll.u32 s1, $0x11  }
0xcc: {  	s0 =	sor.u32 s1, s0  }
0xcd: {  	s0 =	sadd.s32 $0x8F2B, s0  }
0xce: {  	[sflag:s0] =	ssyncadd.remote.s32 $0x1  }
0xcf: {  	_ =	sfence.sel $0xFFFF  }
0xd0: {  	[dreg:$0x0] =	wrdreg $0xFFFFFFFF;
	(pc) =	sbr.abs _section_cstart, $3  }
0xd1: {  	[dreg:$0x1] =	wrdreg $0xFFFFFFFF  }
0xd2: {  	_ =	task.clear_ibuf [dreg:s22], $0x2FFFF;
	_ =	strace $0x9FFFFFFF  }
0xd3: {  	(tm) =	ssettm $0x7FFFFFFF  }
tec
execute0_lowered:
.L_overlay_start_1:
0x0: {  	(tag) =	ssettag $0x1  }
0x1: {  	s0 =	rddreg [dreg:$0x0]  }
0x2: {  	s1 =	rddreg [dreg:$0x1]  }
0x3: {  	s3 =	rddreg [dreg:$0x2]  }
0x4: {  	s4 =	rddreg [dreg:$0x3]  }
0x5: {  	s5 =	simm.s32 $0x0;
	s2 =	stileid.u32;
	s8 =	srdreg.scid  }
0x6: {  	s21 =	simm.s32 $0x40;
	[smem:$0x7FF] =	sst s5;
	s6 =	smul.u32 $0xC80, s2  }
0x7: {  	s15 =	sadd.s32 $0x76E800, s0;
	s9 =	smul.u32 $0xC40, s2;
	s7 =	sadd.s32 $0xE2E00, s0  }
0x8: {  	s16 =	sand.u32 $0x1, s8;
	s11 =	smul.u32 $0x31000, s2;
	s12 =	sadd.s32 $0x15DC00, s0  }
0x9: {  	s25 =	sshll.u32 s2, $0x6;
	s19 =	smul.u32 $0x190000, s2;
	_ =	strace $0x80000050  }
0xa: {  	s10 =	ssub.s32 $0x2, s16;
	s17 =	sshll.u32 s16, $0x5;
	s8 =	sor.u32 $0x1C01, s25  }
0xb: {  	p0 =	sne.s32 s16, $0x0;
	s14 =	sadd.s32 s6, s0;
	s6 =	sadd.s32 $0xE2C00, s0  }
0xc: {  	s22 =	sshrl.u32 s9, $0x3;
	s23 =	sshrl.u32 s10, $0x1;
	s24 =	sshrl.u32 s11, $0x2  }
0xd: {  	s26 =	sor.u32 s17, s11;
	s20 =	sadd.s32 s9, s4;
	s17 =	sor.u32 s17, s19  }
0xe: {  	s19 =	simm.s32 $0x2;
	s0 =	sadd.s32 s22, s0;
	s13 =	ssub.s32 s10, s23  }
0xf: {  	s18 =	sadd.s32 s24, s3;
	s11 =	sshrl.u32 s26, $0x3;
	s28 =	sor.u32 $0x10, s26  }
0x10: {  	s30 =	sshrl.u32 s17, $0x3;
	s17 =	sor.u32 $0x10, s17;
	s14 =	sadd.s32 $0x2B1400, s14  }
0x11: {  	s22 =	simm.s32 $0x640;
	s23 =	simm.s32 $0x8;
	s24 =	simm.s32 $0x0  }
0x12: {  	s9 =	sadd.s32 s12, s11;
	s10 =	sadd.s32 $0xE4A00, s0;
	s29 =	sshrl.u32 s28, $0x3  }
0x13: {  	s31 =	sshrl.u32 s17, $0x3;
	s16 =	sshrl.u32 s18, $0x3;
	s17 =	simm.s32 $0x1  }
0x14: {  	s18 =	sshrl.u32 @!p0 s20, $0x3;
	s20 =	simm.s32 $0x10;
	s11 =	sadd.s32 s12, s29  }
0x15: {  	s12 =	smax.u32 s13, $0x1;
	s13 =	sadd.s32 s30, s15;
	s15 =	sadd.s32 s31, s15  }
.LBB2_1:
0x16: {  	[spmem:s16], [sflag:s8] =	dma.local [hbm:s1], $0x1880  }
0x17: {  	_ =	swait.ge [sflag:s17], $0x1880  }
0x18: {  	[sflag:s17] =	ssyncset.done $0x0  }
0x19: {  	s25 =	simm.s32 @!p0 $0x1;
	[sflag:s17] =	ssyncadd.s32 $0xFFFFE780  }
0x1a: {  	[spmem:s18], [sflag:s8] =	dma.local @!p0 [hbm:s6], $0x188  }
0x1b: {  	_ =	swait.ge @!p0 [sflag:s25], $0x188  }
0x1c: {  	[sflag:s25] =	ssyncset.done @!p0 $0x0  }
0x1d: {  	s26 =	simm.s32 @!p0 $0x0;
	s28 =	simm.s32 @!p0 $0x6A40;
	[sflag:s25] =	ssyncadd.s32 @!p0 $0xFFFFFE78  }
0x1e: {  	[tilespmem:s28], [sflag:$0x1] =	stream.linear.gather @!p0 [hbm4b:s7+s26], $0x640, $0x38;
	[tilespmem:$0x140C0] =	vst v63  }
0x1f: {  	_ =	swait.ge @!p0 [sflag:s25], $0x640  }
0x20: {  	[sflag:s25] =	ssyncset.done @!p0 $0x0  }
0x21: {  	[sflag:s25] =	ssyncadd.s32 @!p0 $0xFFFFF9C0  }
0x22: {  	s0 =	sadd.s32 $0x0, s14;
	[bflag:$0x0] =	sbarrier.arrive $0xFFFF  }
0x23: {  	[tilespmem:s5], [sflag:$0x2] =	stream.linear.gather [hbm4b:s0+s5], $0x640, $0x38;
	[tilespmem:$0x140C0] =	vst v63  }
0x24: {  	_ =	swait.ge [sflag:s19], $0x640  }
0x25: {  	[sflag:s19] =	ssyncset.done $0x0  }
0x26: {  	[sflag:s19] =	ssyncadd.s32 $0xFFFFF9C0  }
0x27: {  	[tilespmem:s22], [sflag:$0x2] =	stream.strided.gather [hbm4b:s13+s20], $0x6400, s21, s20, $0x38;
	[tilespmem:$0x140C0] =	vst v63  }
0x28: {  	_ =	swait.ge [sflag:s19], $0x6400  }
0x29: {  	[sflag:s19] =	ssyncset.done $0x0  }
0x2a: {  	[sflag:s19] =	ssyncadd.s32 $0xFFFF9C00  }
0x2b: {  	[spmem:s3] =	stream.indirect.scatter.add.f32 [tilespmem:s22], [sflag:$0x2], $0x10, s5, s22, $0xb8;
	[tilespmem:$0x140C0] =	vst v63  }
0x2c: {  	_ =	swait.ge [sflag:s19], $0x6400  }
0x2d: {  	[sflag:s19] =	ssyncset.done $0x0  }
0x2e: {  	s30 =	simm.s32 @!p0 $0x640;
	[sflag:s19] =	ssyncadd.s32 $0xFFFF9C00  }
0x2f: {  	[spmem:s4] =	stream.indirect.scatter.add.f32 @!p0 [tilespmem:s28], [sflag:$0x1], $0x1, s26, s30, $0xb8;
	[tilespmem:$0x140C0] =	vst v63  }
0x30: {  	s31 =	simm.s32 $0xC8;
	_ =	swait.ge @!p0 [sflag:s25], $0x640  }
0x31: {  	s29 =	sadd.s32 $0x3200, s13;
	s0 =	simm.s32 $0x190;
	[sflag:s25] =	ssyncset.done @!p0 $0x0  }
.LBB2_2:
0x32: {  	s2 =	sadd.s32 s31, s14  }
0x33: {  	[sflag:s25] =	ssyncadd.s32 @!p0 $0xFFFFF9C0;
	s31 =	smov.u32 s0;
	s0 =	sadd.s32 $0xC8, s0  }
0x34: {  	[tilespmem:s5], [sflag:$0x2] =	stream.linear.gather [hbm4b:s2+s5], $0x640, $0x38;
	[tilespmem:$0x140C0] =	vst v63  }
0x35: {  	p1 =	sne.s32 s0, $0xC80;
	_ =	swait.ge [sflag:s19], $0x640  }
0x36: {  	[sflag:s19] =	ssyncset.done $0x0  }
0x37: {  	[sflag:s19] =	ssyncadd.s32 $0xFFFFF9C0  }
0x38: {  	[tilespmem:s22], [sflag:$0x2] =	stream.strided.gather [hbm4b:s29+s20], $0x6400, s21, s20, $0x38;
	[tilespmem:$0x140C0] =	vst v63  }
0x39: {  	_ =	swait.ge [sflag:s19], $0x6400  }
0x3a: {  	[sflag:s19] =	ssyncset.done $0x0  }
0x3b: {  	[sflag:s19] =	ssyncadd.s32 $0xFFFF9C00  }
0x3c: {  	[spmem:s3] =	stream.indirect.scatter.add.f32 [tilespmem:s22], [sflag:$0x2], $0x10, s5, s22, $0xb8;
	[tilespmem:$0x140C0] =	vst v63  }
0x3d: {  	_ =	swait.ge [sflag:s19], $0x6400  }
.Ltmp0:
0x3e: {  	[sflag:s19] =	ssyncset.done $0x0;
	(pc) =	sbr.rel @p1 .LBB2_2-.Ltmp0, $4  }
0x3f: {  	[sflag:s19] =	ssyncadd.s32 $0xFFFF9C00  }
0x40: {  	[spmem:s4] =	stream.indirect.scatter.add.f32 @!p0 [tilespmem:s28], [sflag:$0x1], $0x1, s26, s30, $0xb8;
	[tilespmem:$0x140C0] =	vst v63  }
0x41: {  	_ =	swait.ge @!p0 [sflag:s25], $0x640  }
0x42: {  	s29 =	sadd.s32 $0x3200, s29;
	[sflag:s25] =	ssyncset.done @!p0 $0x0  }
0x43: {  	s0 =	sadd.s32 s31, s14;
	[sflag:s25] =	ssyncadd.s32 @!p0 $0xFFFFF9C0  }
0x44: {  	[tilespmem:s5], [sflag:$0x2] =	stream.linear.gather [hbm4b:s0+s5], $0x640, $0x38;
	[tilespmem:$0x140C0] =	vst v63  }
0x45: {  	_ =	swait.ge [sflag:s19], $0x640  }
0x46: {  	[sflag:s19] =	ssyncset.done $0x0  }
0x47: {  	[sflag:s19] =	ssyncadd.s32 $0xFFFFF9C0  }
0x48: {  	[tilespmem:s22], [sflag:$0x2] =	stream.strided.gather [hbm4b:s29+s20], $0x6400, s21, s20, $0x38;
	[tilespmem:$0x140C0] =	vst v63  }
0x49: {  	_ =	swait.ge [sflag:s19], $0x6400  }
0x4a: {  	[sflag:s19] =	ssyncset.done $0x0  }
0x4b: {  	[sflag:s19] =	ssyncadd.s32 $0xFFFF9C00  }
0x4c: {  	[spmem:s3] =	stream.indirect.scatter.add.f32 [tilespmem:s22], [sflag:$0x2], $0x10, s5, s22, $0xb8;
	[tilespmem:$0x140C0] =	vst v63  }
0x4d: {  	_ =	swait.ge [sflag:s19], $0x6400  }
0x4e: {  	[sflag:s19] =	ssyncset.done $0x0  }
0x4f: {  	s0 =	simm.s32 @!p0 $0x640;
	[sflag:s19] =	ssyncadd.s32 $0xFFFF9C00  }
0x50: {  	[spmem:s4] =	stream.indirect.scatter.add.f32 @!p0 [tilespmem:s28], [sflag:$0x1], $0x1, s26, s0, $0xb8;
	[tilespmem:$0x140C0] =	vst v63  }
0x51: {  	_ =	swait.ge @!p0 [sflag:s25], $0x640  }
0x52: {  	[sflag:s25] =	ssyncset.done @!p0 $0x0  }
0x53: {  	[sflag:s25] =	ssyncadd.s32 @!p0 $0xFFFFF9C0  }
0x54: {  	[bflag:$0x0] =	sbarrier.arrive $0xFFFF  }
0x55: {  	[hbm:s9@s23], [sflag:s8] =	dma.strided [spmem:s16@s19], $0x1880, s17, $0x2   }
0x56: {  	_ =	swait.ge [sflag:s17], $0x1880  }
0x57: {  	[sflag:s17] =	ssyncset.done $0x0  }
0x58: {  	s0 =	simm.s32 @!p0 $0x1;
	[sflag:s17] =	ssyncadd.s32 $0xFFFFE780  }
0x59: {  	[hbm:s10], [sflag:s8] =	dma.local @!p0 [spmem:s18], $0x188  }
0x5a: {  	_ =	swait.ge @!p0 [sflag:s0], $0x188  }
0x5b: {  	[sflag:s0] =	ssyncset.done @!p0 $0x0  }
0x5c: {  	[sflag:s0] =	ssyncadd.s32 @!p0 $0xFFFFFE78  }
0x5d: {  	[spmem:s16], [sflag:s8] =	dma.local [hbm:s1], $0x1880  }
0x5e: {  	_ =	swait.ge [sflag:s17], $0x1880  }
0x5f: {  	[sflag:s17] =	ssyncset.done $0x0  }
0x60: {  	[sflag:s17] =	ssyncadd.s32 $0xFFFFE780  }
0x61: {  	s31 =	sadd.s32 $0x0, s14;
	[bflag:$0x0] =	sbarrier.arrive $0xFFFF  }
0x62: {  	[tilespmem:s5], [sflag:$0x1] =	stream.linear.gather [hbm4b:s31+s5], $0x640, $0x38;
	[tilespmem:$0x140C0] =	vst v63  }
0x63: {  	_ =	swait.ge [sflag:s17], $0x640  }
0x64: {  	[sflag:s17] =	ssyncset.done $0x0  }
0x65: {  	[sflag:s17] =	ssyncadd.s32 $0xFFFFF9C0  }
0x66: {  	[tilespmem:s22], [sflag:$0x1] =	stream.strided.gather [hbm4b:s15+s20], $0x6400, s21, s20, $0x38;
	[tilespmem:$0x140C0] =	vst v63  }
0x67: {  	_ =	swait.ge [sflag:s17], $0x6400  }
0x68: {  	[sflag:s17] =	ssyncset.done $0x0  }
0x69: {  	[sflag:s17] =	ssyncadd.s32 $0xFFFF9C00  }
0x6a: {  	[spmem:s3] =	stream.indirect.scatter.add.f32 [tilespmem:s22], [sflag:$0x1], $0x10, s5, s22, $0xb8;
	[tilespmem:$0x140C0] =	vst v63  }
0x6b: {  	s26 =	simm.s32 $0x190;
	_ =	swait.ge [sflag:s17], $0x6400  }
0x6c: {  	s25 =	simm.s32 $0xC8;
	s0 =	sadd.s32 $0x3200, s15;
	[sflag:s17] =	ssyncset.done $0x0  }
.LBB2_4:
0x6d: {  	s2 =	sadd.s32 s25, s14  }
0x6e: {  	[sflag:s17] =	ssyncadd.s32 $0xFFFF9C00;
	s25 =	smov.u32 s26;
	s28 =	sadd.s32 $0xC8, s26  }
0x6f: {  	[tilespmem:s5], [sflag:$0x1] =	stream.linear.gather [hbm4b:s2+s5], $0x640, $0x38;
	[tilespmem:$0x140C0] =	vst v63  }
0x70: {  	p1 =	sne.s32 s26, $0xBB8;
	_ =	swait.ge [sflag:s17], $0x640  }
0x71: {  	[sflag:s17] =	ssyncset.done $0x0  }
0x72: {  	[sflag:s17] =	ssyncadd.s32 $0xFFFFF9C0  }
0x73: {  	[tilespmem:s22], [sflag:$0x1] =	stream.strided.gather [hbm4b:s0+s20], $0x6400, s21, s20, $0x38;
	[tilespmem:$0x140C0] =	vst v63  }
0x74: {  	_ =	swait.ge [sflag:s17], $0x6400  }
.Ltmp1:
0x75: {  	[sflag:s17] =	ssyncset.done $0x0;
	(pc) =	sbr.rel @p1 .LBB2_4-.Ltmp1, $4  }
0x76: {  	[sflag:s17] =	ssyncadd.s32 $0xFFFF9C00  }
0x77: {  	[spmem:s3] =	stream.indirect.scatter.add.f32 [tilespmem:s22], [sflag:$0x1], $0x10, s5, s22, $0xb8;
	[tilespmem:$0x140C0] =	vst v63  }
0x78: {  	_ =	swait.ge [sflag:s17], $0x6400  }
0x79: {  	s26 =	smov.u32 s28;
	s0 =	sadd.s32 $0x3200, s0;
	[sflag:s17] =	ssyncset.done $0x0  }
0x7a: {  	s2 =	sadd.s32 s25, s14;
	[sflag:s17] =	ssyncadd.s32 $0xFFFF9C00  }
0x7b: {  	[tilespmem:s5], [sflag:$0x1] =	stream.linear.gather [hbm4b:s2+s5], $0x640, $0x38;
	[tilespmem:$0x140C0] =	vst v63  }
0x7c: {  	_ =	swait.ge [sflag:s17], $0x640  }
0x7d: {  	[sflag:s17] =	ssyncset.done $0x0  }
0x7e: {  	[sflag:s17] =	ssyncadd.s32 $0xFFFFF9C0  }
0x7f: {  	[tilespmem:s22], [sflag:$0x1] =	stream.strided.gather [hbm4b:s0+s20], $0x6400, s21, s20, $0x38;
	[tilespmem:$0x140C0] =	vst v63  }
0x80: {  	_ =	swait.ge [sflag:s17], $0x6400  }
0x81: {  	[sflag:s17] =	ssyncset.done $0x0  }
0x82: {  	[sflag:s17] =	ssyncadd.s32 $0xFFFF9C00  }
0x83: {  	[spmem:s3] =	stream.indirect.scatter.add.f32 [tilespmem:s22], [sflag:$0x1], $0x10, s5, s22, $0xb8;
	[tilespmem:$0x140C0] =	vst v63  }
0x84: {  	_ =	swait.ge [sflag:s17], $0x6400  }
0x85: {  	s24 =	sadd.s32 $0x1, s24;
	[sflag:s17] =	ssyncset.done $0x0  }
0x86: {  	p1 =	sne.s32 s24, s12;
	[sflag:s17] =	ssyncadd.s32 $0xFFFF9C00  }
.Ltmp2:
0x87: {  	[bflag:$0x0] =	sbarrier.arrive $0xFFFF;
	(pc) =	sbr.rel @p1 .LBB2_1-.Ltmp2, $4  }
0x88: {  	[hbm:s11@s23], [sflag:s8] =	dma.strided [spmem:s16@s19], $0x1880, s17, $0x2   }
0x89: {  	_ =	swait.ge [sflag:s17], $0x1880  }
0x8a: {  	[sflag:s17] =	ssyncset.done $0x0  }
0x8b: {  	[sflag:s17] =	ssyncadd.s32 $0xFFFFE780  }
0x8c: {  	_ =	sfence.sel $0x180000  }
0x8d: {  	[bflag:$0x0] =	sbarrier.arrive $0xFFFF  }
0x8e: {  	_ =	strace $0x90000050  }
0x8f: {  	s0 =	stileid.u32;
	[bflag:$0x2] =	sbarrier.arrive $0xFFFF  }
0x90: {  	p0 =	sne.s32 s0, $0x0;
	s0 =	rddreg [dreg:$0x4]  }
0x91: {  	s0 =	sadd.s32 @!p0 $0x100000, s0  }
0x92: {  	[sflag:s0] =	ssyncadd.tile.s32 @!p0 $0x1;
	_ =	shalt  }
.Lfunc_end2:
_tile_overlayer_lowered:
.L_overlay_start_2:
0x93: {  	(tag) =	ssettag $0x2  }
0x94: {  	s0 =	rddreg [dreg:$0x0];
	s2 =	stileid.u32  }
0x95: {  	s1 =	rddreg [dreg:$0x1];
	p0 =	sne.s32 s2, $0x0  }
0x96: {  	s3 =	rddreg [dreg:$0x2];
	[bflag:$0x3] =	sbarrier.arrive $0xFFFF;
	s2 =	simm.s32 @!p0 $0x1C01  }
0x97: {  	[timem:s3], [sflag:s2] =	dma.local @!p0 [hbm:s0], s1  }
0x98: {  	s0 =	simm.s32 @!p0 $0x1  }
0x99: {  	_ =	swait.ge @!p0 [sflag:s0], s1  }
0x9a: {  	s1 =	ssub.s32 @!p0 $0x0, s1;
	[sflag:s0] =	ssyncset.done @!p0 $0x0  }
0x9b: {  	[sflag:s0] =	ssyncadd.s32 @!p0 s1  }
0x9c: {  	[bflag:$0x3] =	sbarrier.arrive $0xFFFF  }
0x9d: {  	_ =	shalt  }

</sc_bundles>
